<compile_context>
chip_gen: v7x
topology: tpu7x:2x2x1
jax: 0.10.2.dev20260603
libtpu: 0.0.44.dev20260713+nightly
codegen_flags: <defaults>
</compile_context>

<pallas_src>
import functools

import jax
import jax.numpy as jnp
from jax import lax
from jax.experimental import pallas as pl
from jax.experimental.pallas import tpu as pltpu
from jax.experimental.pallas import tpu_sc as plsc

_LANES = 16
_NUM_WORKERS = 32
_NUM_CORES = 2
_NBUF = 4
_CHUNK_S = 4


def _emb_body(batch, s_per_w, embed, seq_len,
              ids_hbm, pos_hbm, table_hbm, out_hbm,
              idx_v, pos_v, *rest):
    bufs = list(rest[:_NBUF])
    gsems = list(rest[_NBUF:2 * _NBUF])
    ssems = list(rest[2 * _NBUF:3 * _NBUF])
    isem, psem = rest[3 * _NBUF], rest[3 * _NBUF + 1]

    wid = lax.axis_index("s") * _NUM_CORES + lax.axis_index("c")
    base_s = wid * s_per_w
    nchunks = s_per_w // _CHUNK_S
    rounds = nchunks // _NBUF

    id_copy = pltpu.async_copy(ids_hbm.at[wid], idx_v, isem)
    pos_copy = pltpu.async_copy(pos_hbm.at[pl.ds(base_s, s_per_w)], pos_v, psem)
    id_copy.wait()

    def gather_desc(r, j):
        return pltpu.make_async_copy(
            table_hbm.at[idx_v.at[r * _NBUF + j]], bufs[j], gsems[j])

    def store_descs(r, j):
        k = r * _NBUF + j
        return [
            pltpu.make_async_copy(
                bufs[j].at[pl.ds(b * _CHUNK_S, _CHUNK_S)],
                out_hbm.at[pl.ds(b * seq_len + base_s + k * _CHUNK_S, _CHUNK_S)],
                ssems[j])
            for b in range(batch)
        ]

    gather_desc(0, 0).start()
    gather_desc(0, 1).start()
    pos_copy.wait()

    def round_body(r, carry):
        for j in range(_NBUF):
            k = r * _NBUF + j
            gather_desc(r, j).wait()

            @plsc.parallel_loop(0, _CHUNK_S, 1)
            def _add_row(i):
                @plsc.parallel_loop(0, embed, _LANES, unroll=4)
                def _add_col(c):
                    sl = pl.ds(c, _LANES)
                    p = pos_v[k * _CHUNK_S + i, sl]
                    for b in range(batch):
                        plsc.addupdate(bufs[j].at[b * _CHUNK_S + i, sl], p)

            for d in store_descs(r, j):
                d.start()

            j2 = (j + 2) % _NBUF
            if j < _NBUF - 2:
                @pl.when(r > 0)
                def _drain():
                    for d in store_descs(r - 1, j2):
                        d.wait()
                gather_desc(r, j2).start()
            else:
                @pl.when(r < rounds - 1)
                def _drain_and_issue():
                    for d in store_descs(r, j2):
                        d.wait()
                    gather_desc(r + 1, j2).start()
        return carry

    lax.fori_loop(0, rounds, round_body, 0)

    for j in range(_NBUF):
        for d in store_descs(rounds - 1, j):
            d.wait()


def kernel(token_ids, token_table, pos_table):
    batch, seq_len = token_ids.shape
    vocab, embed = token_table.shape
    s_per_w = seq_len // _NUM_WORKERS
    nchunks = s_per_w // _CHUNK_S

    ids = (token_ids.astype(jnp.int32)
           .reshape(batch, _NUM_WORKERS, nchunks, _CHUNK_S)
           .transpose(1, 2, 0, 3)
           .reshape(_NUM_WORKERS, nchunks, batch * _CHUNK_S))

    grid_kernel = functools.partial(
        pl.kernel,
        mesh=plsc.VectorSubcoreMesh(core_axis_name="c", subcore_axis_name="s"),
        out_type=jax.ShapeDtypeStruct((batch * seq_len, embed), jnp.float32),
        scratch_types=(
            [pltpu.VMEM((nchunks, batch * _CHUNK_S), jnp.int32),
             pltpu.VMEM((s_per_w, embed), jnp.float32)]
            + [pltpu.VMEM((batch * _CHUNK_S, embed), jnp.float32)
               for _ in range(_NBUF)]
            + [pltpu.SemaphoreType.DMA for _ in range(2 * _NBUF + 2)]
        ),
    )
    body = grid_kernel(functools.partial(_emb_body, batch, s_per_w, embed, seq_len))
    out = body(ids, pos_table, token_table)
    return out.reshape(batch, seq_len, embed)

# --- scband reference (transcript-rebuilt; emitter-appended) ---
"""Pipeline reference for scband-gptembeddings-59158879535183 (READ-ONLY COPY).

The authoritative reference and input builder live on the scoring server;
editing this copy changes nothing except your own understanding.
"""

import jax, jax.numpy as jnp
import numpy as np

VOCAB = 100000
EMBED = 768
MAX_SEQ = 2048
BATCH = 4
SEQ = 2048

def setup_inputs(seed: int = 0) -> dict:
    key = jax.random.key(seed)
    k1, k2, k3 = jax.random.split(key, 3)
    token_ids = jax.random.randint(k1, (BATCH, SEQ), 0, VOCAB, dtype=jnp.int64 if jax.config.jax_enable_x64 else jnp.int32)
    token_table = jax.random.normal(k2, (VOCAB, EMBED), dtype=jnp.float32) * 0.02
    pos_table = jax.random.normal(k3, (MAX_SEQ, EMBED), dtype=jnp.float32) * 0.02
    return {"token_ids": token_ids, "token_table": token_table, "pos_table": pos_table}

def reference(token_ids, token_table, pos_table):
    _batch, seq_len = token_ids.shape
    token_emb = jnp.take(token_table, token_ids, axis=0)
    pos_ids = jnp.arange(seq_len)
    pos_emb = jnp.take(pos_table, pos_ids, axis=0)
    return token_emb + pos_emb[None, :, :]

if __name__ == "__main__":
    import jax
    _d = setup_inputs()
    print(jax.jit(kernel)(*tuple(_d.values())))

</pallas_src>

<mosaic_0001>
#map = affine_map<(d0, d1) -> (0, 0, 0)>
#map1 = affine_map<(d0, d1) -> (0, 0)>
module attributes {stable_mosaic.version = 14 : i64} {
  func.func @_emb_body(%arg0: i32, %arg1: i32, %arg2: memref<32x16x16xi32, #tpu.memory_space<hbm>>, %arg3: memref<2048x768xf32, #tpu.memory_space<hbm>>, %arg4: memref<100000x768xf32, #tpu.memory_space<hbm>>, %arg5: memref<8192x768xf32, #tpu.memory_space<hbm>>, %arg6: memref<16x16xi32, #tpu.memory_space<vmem>>, %arg7: memref<64x768xf32, #tpu.memory_space<vmem>>, %arg8: memref<16x768xf32, #tpu.memory_space<vmem>>, %arg9: memref<16x768xf32, #tpu.memory_space<vmem>>, %arg10: memref<16x768xf32, #tpu.memory_space<vmem>>, %arg11: memref<16x768xf32, #tpu.memory_space<vmem>>, %arg12: memref<!tpu.dma_semaphore, #tpu.memory_space<semaphore_mem>>, %arg13: memref<!tpu.dma_semaphore, #tpu.memory_space<semaphore_mem>>, %arg14: memref<!tpu.dma_semaphore, #tpu.memory_space<semaphore_mem>>, %arg15: memref<!tpu.dma_semaphore, #tpu.memory_space<semaphore_mem>>, %arg16: memref<!tpu.dma_semaphore, #tpu.memory_space<semaphore_mem>>, %arg17: memref<!tpu.dma_semaphore, #tpu.memory_space<semaphore_mem>>, %arg18: memref<!tpu.dma_semaphore, #tpu.memory_space<semaphore_mem>>, %arg19: memref<!tpu.dma_semaphore, #tpu.memory_space<semaphore_mem>>, %arg20: memref<!tpu.dma_semaphore, #tpu.memory_space<semaphore_mem>>, %arg21: memref<!tpu.dma_semaphore, #tpu.memory_space<semaphore_mem>>) attributes {dimension_semantics = [#tpu.dimension_semantics<core_parallel>, #tpu.dimension_semantics<subcore_parallel>], iteration_bounds = array<i64: 2, 16>, scalar_prefetch = 0 : i64, scratch_operands = 16 : i64, tpu.core_type = #tpu.core_type<sc_vector_subcore>, window_params = [{transform_indices = #map}, {transform_indices = #map1}, {transform_indices = #map1}, {transform_indices = #map1}]} {
    %mul3A = arith.constant 2 : i32
    %mul3A_0 = arith.muli %arg1, %mul3A : i32
    %add3A = arith.addi %mul3A_0, %arg0 : i32
    %mul3A_1 = arith.constant 64 : i32
    %mul3A_2 = arith.muli %add3A, %mul3A_1 : i32
    %dma_start3A = arith.constant 0 : i32
    %dma_start3A_3 = arith.constant 0 : i32
    %dma_start3A_4 = tpu.memref_slice %arg2[%add3A, %dma_start3A, %dma_start3A_3] : memref<32x16x16xi32, #tpu.memory_space<hbm>> -> memref<1x16x16xi32, #tpu.memory_space<hbm>>
    %dma_start3A_5 = tpu.memref_squeeze %dma_start3A_4 : memref<1x16x16xi32, #tpu.memory_space<hbm>> -> memref<16x16xi32, #tpu.memory_space<hbm>>
    %dma_start3A_6 = arith.constant 0 : i32
    %dma_start3A_7 = arith.constant 0 : i32
    %dma_start3A_8 = tpu.memref_slice %arg2[%add3A, %dma_start3A_6, %dma_start3A_7] : memref<32x16x16xi32, #tpu.memory_space<hbm>> -> memref<1x16x16xi32, #tpu.memory_space<hbm>>
    %dma_start3A_9 = tpu.memref_squeeze %dma_start3A_8 : memref<1x16x16xi32, #tpu.memory_space<hbm>> -> memref<16x16xi32, #tpu.memory_space<hbm>>
    tpu.enqueue_dma source(%dma_start3A_9 : memref<16x16xi32, #tpu.memory_space<hbm>>) target(%arg6 : memref<16x16xi32, #tpu.memory_space<vmem>>) target_semaphore(%arg20 : memref<!tpu.dma_semaphore, #tpu.memory_space<semaphore_mem>>)
    %dma_start3A_10 = arith.constant 0 : i32
    %dma_start3A_11 = tpu.memref_slice %arg3[%mul3A_2, %dma_start3A_10] : memref<2048x768xf32, #tpu.memory_space<hbm>> -> memref<64x768xf32, #tpu.memory_space<hbm>>
    %dma_start3A_12 = arith.constant 0 : i32
    %dma_start3A_13 = tpu.memref_slice %arg3[%mul3A_2, %dma_start3A_12] : memref<2048x768xf32, #tpu.memory_space<hbm>> -> memref<64x768xf32, #tpu.memory_space<hbm>>
    tpu.enqueue_dma source(%dma_start3A_13 : memref<64x768xf32, #tpu.memory_space<hbm>>) target(%arg7 : memref<64x768xf32, #tpu.memory_space<vmem>>) target_semaphore(%arg21 : memref<!tpu.dma_semaphore, #tpu.memory_space<semaphore_mem>>)
    %dma_wait3A = arith.constant 0 : i32
    %dma_wait3A_14 = arith.constant 0 : i32
    %dma_wait3A_15 = tpu.memref_slice %arg2[%add3A, %dma_wait3A, %dma_wait3A_14] : memref<32x16x16xi32, #tpu.memory_space<hbm>> -> memref<1x16x16xi32, #tpu.memory_space<hbm>>
    %dma_wait3A_16 = tpu.memref_squeeze %dma_wait3A_15 : memref<1x16x16xi32, #tpu.memory_space<hbm>> -> memref<16x16xi32, #tpu.memory_space<hbm>>
    %dma_wait3A_17 = arith.constant 0 : i32
    %dma_wait3A_18 = arith.constant 0 : i32
    %dma_wait3A_19 = tpu.memref_slice %arg2[%add3A, %dma_wait3A_17, %dma_wait3A_18] : memref<32x16x16xi32, #tpu.memory_space<hbm>> -> memref<1x16x16xi32, #tpu.memory_space<hbm>>
    %dma_wait3A_20 = tpu.memref_squeeze %dma_wait3A_19 : memref<1x16x16xi32, #tpu.memory_space<hbm>> -> memref<16x16xi32, #tpu.memory_space<hbm>>
    tpu.wait_dma2 semaphore(%arg20 : memref<!tpu.dma_semaphore, #tpu.memory_space<semaphore_mem>>) src(%dma_wait3A_20 : memref<16x16xi32, #tpu.memory_space<hbm>>) dst(%arg6 : memref<16x16xi32, #tpu.memory_space<vmem>>)
    %dma_start3A_21 = arith.constant 0 : i32
    %dma_start3A_22 = arith.constant 0 : i32
    %dma_start3A_23 = tpu.memref_slice %arg6[%dma_start3A_21, %dma_start3A_22] : memref<16x16xi32, #tpu.memory_space<vmem>> -> memref<1x16xi32, #tpu.memory_space<vmem>>
    %dma_start3A_24 = tpu.memref_squeeze %dma_start3A_23 : memref<1x16xi32, #tpu.memory_space<vmem>> -> memref<16xi32, #tpu.memory_space<vmem>>
    %dma_start3A_25 = arith.constant 0 : i32
    %dma_start3A_26 = arith.constant 0 : i32
    %dma_start3A_27 = tpu.memref_slice %arg4[%dma_start3A_25, %dma_start3A_26] : memref<100000x768xf32, #tpu.memory_space<hbm>> -> memref<100000x768xf32, #tpu.memory_space<hbm>>
    tpu.enqueue_indirect_dma source(%dma_start3A_27 : memref<100000x768xf32, #tpu.memory_space<hbm>>) target(%arg8 : memref<16x768xf32, #tpu.memory_space<vmem>>) offsets(%dma_start3A_24 : memref<16xi32, #tpu.memory_space<vmem>>) semaphore(%arg12 : memref<!tpu.dma_semaphore, #tpu.memory_space<semaphore_mem>>)
    %dma_start3A_28 = arith.constant 1 : i32
    %dma_start3A_29 = arith.constant 0 : i32
    %dma_start3A_30 = tpu.memref_slice %arg6[%dma_start3A_28, %dma_start3A_29] : memref<16x16xi32, #tpu.memory_space<vmem>> -> memref<1x16xi32, #tpu.memory_space<vmem>>
    %dma_start3A_31 = tpu.memref_squeeze %dma_start3A_30 : memref<1x16xi32, #tpu.memory_space<vmem>> -> memref<16xi32, #tpu.memory_space<vmem>>
    %dma_start3A_32 = arith.constant 0 : i32
    %dma_start3A_33 = arith.constant 0 : i32
    %dma_start3A_34 = tpu.memref_slice %arg4[%dma_start3A_32, %dma_start3A_33] : memref<100000x768xf32, #tpu.memory_space<hbm>> -> memref<100000x768xf32, #tpu.memory_space<hbm>>
    tpu.enqueue_indirect_dma source(%dma_start3A_34 : memref<100000x768xf32, #tpu.memory_space<hbm>>) target(%arg9 : memref<16x768xf32, #tpu.memory_space<vmem>>) offsets(%dma_start3A_31 : memref<16xi32, #tpu.memory_space<vmem>>) semaphore(%arg13 : memref<!tpu.dma_semaphore, #tpu.memory_space<semaphore_mem>>)
    %dma_wait3A_35 = arith.constant 0 : i32
    %dma_wait3A_36 = tpu.memref_slice %arg3[%mul3A_2, %dma_wait3A_35] : memref<2048x768xf32, #tpu.memory_space<hbm>> -> memref<64x768xf32, #tpu.memory_space<hbm>>
    %dma_wait3A_37 = arith.constant 0 : i32
    %dma_wait3A_38 = tpu.memref_slice %arg3[%mul3A_2, %dma_wait3A_37] : memref<2048x768xf32, #tpu.memory_space<hbm>> -> memref<64x768xf32, #tpu.memory_space<hbm>>
    tpu.wait_dma2 semaphore(%arg21 : memref<!tpu.dma_semaphore, #tpu.memory_space<semaphore_mem>>) src(%dma_wait3A_38 : memref<64x768xf32, #tpu.memory_space<hbm>>) dst(%arg7 : memref<64x768xf32, #tpu.memory_space<vmem>>)
    %scan3A = arith.constant 0 : i32
    %scan3A_39 = arith.constant 0 : i32
    %scan3A_40 = arith.constant 4 : i32
    %scan3A_41 = arith.addi %scan3A_39, %scan3A_40 : i32
    %scan3A_42 = arith.constant 1 : i32
    scf.for %scan3A_268 = %scan3A_39 to %scan3A_41 step %scan3A_42  : i32 {
      %mul3A_269 = arith.constant 4 : i32
      %mul3A_270 = arith.muli %scan3A_268, %mul3A_269 : i32
      %add3A_271 = arith.constant 0 : i32
      %add3A_272 = arith.addi %mul3A_270, %add3A_271 : i32
      %mul3A_273 = arith.constant 4 : i32
      %mul3A_274 = arith.muli %scan3A_268, %mul3A_273 : i32
      %add3A_275 = arith.constant 0 : i32
      %add3A_276 = arith.addi %mul3A_274, %add3A_275 : i32
      %dma_wait3A_277 = arith.constant 0 : i32
      %dma_wait3A_278 = tpu.memref_slice %arg6[%add3A_276, %dma_wait3A_277] : memref<16x16xi32, #tpu.memory_space<vmem>> -> memref<1x16xi32, #tpu.memory_space<vmem>>
      %dma_wait3A_279 = tpu.memref_squeeze %dma_wait3A_278 : memref<1x16xi32, #tpu.memory_space<vmem>> -> memref<16xi32, #tpu.memory_space<vmem>>
      %dma_wait3A_280 = arith.constant 0 : i32
      %dma_wait3A_281 = arith.constant 0 : i32
      %dma_wait3A_282 = tpu.memref_slice %arg4[%dma_wait3A_280, %dma_wait3A_281] : memref<100000x768xf32, #tpu.memory_space<hbm>> -> memref<100000x768xf32, #tpu.memory_space<hbm>>
      tpu.wait_indirect_dma semaphore(%arg12 : memref<!tpu.dma_semaphore, #tpu.memory_space<semaphore_mem>>) src(%dma_wait3A_282 : memref<100000x768xf32, #tpu.memory_space<hbm>>) dst(%arg8 : memref<16x768xf32, #tpu.memory_space<vmem>>)
      %parallel_loop3A = arith.constant 0 : i32
      %parallel_loop3A_283 = arith.constant 4 : i32
      %parallel_loop3A_284 = arith.constant 1 : i32
      scf.for %parallel_loop3A_628 = %parallel_loop3A to %parallel_loop3A_283 step %parallel_loop3A_284  : i32 {
        %parallel_loop3A_629 = arith.constant 0 : i32
        %parallel_loop3A_630 = arith.constant 768 : i32
        %parallel_loop3A_631 = arith.constant 16 : i32
        scf.for %parallel_loop3A_632 = %parallel_loop3A_629 to %parallel_loop3A_630 step %parallel_loop3A_631  : i32 {
          %parallel_loop3A_633 = arith.constant 4 : i32
          %parallel_loop3A_634 = arith.muli %add3A_272, %parallel_loop3A_633 : i32
          %parallel_loop3A_635 = arith.addi %parallel_loop3A_634, %parallel_loop3A_628 : i32
          %parallel_loop3A_636 = arith.index_cast %parallel_loop3A_635 : i32 to index
          %parallel_loop3A_637 = arith.index_cast %parallel_loop3A_632 : i32 to index
          %parallel_loop3A_638 = tpu.vector_load %arg7[%parallel_loop3A_636, %parallel_loop3A_637] {strides = array<i32>} : memref<64x768xf32, #tpu.memory_space<vmem>>, vector<1x16xf32>,
          %parallel_loop3A_639 = vector.shape_cast %parallel_loop3A_638 : vector<1x16xf32> to vector<16xf32>
          %parallel_loop3A_640 = arith.constant 0 : i32
          %parallel_loop3A_641 = arith.addi %parallel_loop3A_640, %parallel_loop3A_628 : i32
          %parallel_loop3A_642 = arith.index_cast %parallel_loop3A_641 : i32 to index
          %parallel_loop3A_643 = arith.index_cast %parallel_loop3A_632 : i32 to index
          %parallel_loop3A_644 = tpu.vector_load %arg8[%parallel_loop3A_642, %parallel_loop3A_643] {strides = array<i32>} : memref<16x768xf32, #tpu.memory_space<vmem>>, vector<1x16xf32>,
          %parallel_loop3A_645 = vector.shape_cast %parallel_loop3A_644 : vector<1x16xf32> to vector<16xf32>
          %parallel_loop3A_646 = vector.shape_cast %parallel_loop3A_639 : vector<16xf32> to vector<1x16xf32>
          tpu.vector_store %arg8[%parallel_loop3A_642, %parallel_loop3A_643], %parallel_loop3A_646 {add = true, strides = array<i32>} : memref<16x768xf32, #tpu.memory_space<vmem>>, vector<1x16xf32>,
          %parallel_loop3A_647 = arith.constant 4 : i32
          %parallel_loop3A_648 = arith.addi %parallel_loop3A_647, %parallel_loop3A_628 : i32
          %parallel_loop3A_649 = arith.index_cast %parallel_loop3A_648 : i32 to index
          %parallel_loop3A_650 = arith.index_cast %parallel_loop3A_632 : i32 to index
          %parallel_loop3A_651 = tpu.vector_load %arg8[%parallel_loop3A_649, %parallel_loop3A_650] {strides = array<i32>} : memref<16x768xf32, #tpu.memory_space<vmem>>, vector<1x16xf32>,
          %parallel_loop3A_652 = vector.shape_cast %parallel_loop3A_651 : vector<1x16xf32> to vector<16xf32>
          %parallel_loop3A_653 = vector.shape_cast %parallel_loop3A_639 : vector<16xf32> to vector<1x16xf32>
          tpu.vector_store %arg8[%parallel_loop3A_649, %parallel_loop3A_650], %parallel_loop3A_653 {add = true, strides = array<i32>} : memref<16x768xf32, #tpu.memory_space<vmem>>, vector<1x16xf32>,
          %parallel_loop3A_654 = arith.constant 8 : i32
          %parallel_loop3A_655 = arith.addi %parallel_loop3A_654, %parallel_loop3A_628 : i32
          %parallel_loop3A_656 = arith.index_cast %parallel_loop3A_655 : i32 to index
          %parallel_loop3A_657 = arith.index_cast %parallel_loop3A_632 : i32 to index
          %parallel_loop3A_658 = tpu.vector_load %arg8[%parallel_loop3A_656, %parallel_loop3A_657] {strides = array<i32>} : memref<16x768xf32, #tpu.memory_space<vmem>>, vector<1x16xf32>,
          %parallel_loop3A_659 = vector.shape_cast %parallel_loop3A_658 : vector<1x16xf32> to vector<16xf32>
          %parallel_loop3A_660 = vector.shape_cast %parallel_loop3A_639 : vector<16xf32> to vector<1x16xf32>
          tpu.vector_store %arg8[%parallel_loop3A_656, %parallel_loop3A_657], %parallel_loop3A_660 {add = true, strides = array<i32>} : memref<16x768xf32, #tpu.memory_space<vmem>>, vector<1x16xf32>,
          %parallel_loop3A_661 = arith.constant 12 : i32
          %parallel_loop3A_662 = arith.addi %parallel_loop3A_661, %parallel_loop3A_628 : i32
          %parallel_loop3A_663 = arith.index_cast %parallel_loop3A_662 : i32 to index
          %parallel_loop3A_664 = arith.index_cast %parallel_loop3A_632 : i32 to index
          %parallel_loop3A_665 = tpu.vector_load %arg8[%parallel_loop3A_663, %parallel_loop3A_664] {strides = array<i32>} : memref<16x768xf32, #tpu.memory_space<vmem>>, vector<1x16xf32>,
          %parallel_loop3A_666 = vector.shape_cast %parallel_loop3A_665 : vector<1x16xf32> to vector<16xf32>
          %parallel_loop3A_667 = vector.shape_cast %parallel_loop3A_639 : vector<16xf32> to vector<1x16xf32>
          tpu.vector_store %arg8[%parallel_loop3A_663, %parallel_loop3A_664], %parallel_loop3A_667 {add = true, strides = array<i32>} : memref<16x768xf32, #tpu.memory_space<vmem>>, vector<1x16xf32>,
        } {sc.loop_unroll_factor = 4 : i64, sc.parallel_access}
      } {sc.loop_unroll_factor = 1 : i64, sc.parallel_access}
      %mul3A_285 = arith.constant 4 : i32
      %mul3A_286 = arith.muli %scan3A_268, %mul3A_285 : i32
      %add3A_287 = arith.constant 0 : i32
      %add3A_288 = arith.addi %mul3A_286, %add3A_287 : i32
      %add3A_289 = arith.constant 0 : i32
      %add3A_290 = arith.addi %add3A_289, %mul3A_2 : i32
      %mul3A_291 = arith.constant 4 : i32
      %mul3A_292 = arith.muli %add3A_288, %mul3A_291 : i32
      %add3A_293 = arith.addi %add3A_290, %mul3A_292 : i32
      %add3A_294 = arith.constant 2048 : i32
      %add3A_295 = arith.addi %add3A_294, %mul3A_2 : i32
      %mul3A_296 = arith.constant 4 : i32
      %mul3A_297 = arith.muli %add3A_288, %mul3A_296 : i32
      %add3A_298 = arith.addi %add3A_295, %mul3A_297 : i32
      %add3A_299 = arith.constant 4096 : i32
      %add3A_300 = arith.addi %add3A_299, %mul3A_2 : i32
      %mul3A_301 = arith.constant 4 : i32
      %mul3A_302 = arith.muli %add3A_288, %mul3A_301 : i32
      %add3A_303 = arith.addi %add3A_300, %mul3A_302 : i32
      %add3A_304 = arith.constant 6144 : i32
      %add3A_305 = arith.addi %add3A_304, %mul3A_2 : i32
      %mul3A_306 = arith.constant 4 : i32
      %mul3A_307 = arith.muli %add3A_288, %mul3A_306 : i32
      %add3A_308 = arith.addi %add3A_305, %mul3A_307 : i32
      %dma_start3A_309 = arith.constant 0 : i32
      %dma_start3A_310 = arith.constant 0 : i32
      %dma_start3A_311 = tpu.memref_slice %arg8[%dma_start3A_309, %dma_start3A_310] : memref<16x768xf32, #tpu.memory_space<vmem>> -> memref<4x768xf32, #tpu.memory_space<vmem>>
      %dma_start3A_312 = arith.constant 0 : i32
      %dma_start3A_313 = tpu.memref_slice %arg5[%add3A_293, %dma_start3A_312] : memref<8192x768xf32, #tpu.memory_space<hbm>> -> memref<4x768xf32, #tpu.memory_space<hbm>>
      %dma_start3A_314 = arith.constant 0 : i32
      %dma_start3A_315 = tpu.memref_slice %arg5[%add3A_293, %dma_start3A_314] : memref<8192x768xf32, #tpu.memory_space<hbm>> -> memref<4x768xf32, #tpu.memory_space<hbm>>
      %dma_start3A_316 = arith.constant 0 : i32
      %dma_start3A_317 = arith.constant 0 : i32
      %dma_start3A_318 = tpu.memref_slice %arg8[%dma_start3A_316, %dma_start3A_317] : memref<16x768xf32, #tpu.memory_space<vmem>> -> memref<4x768xf32, #tpu.memory_space<vmem>>
      tpu.enqueue_dma source(%dma_start3A_318 : memref<4x768xf32, #tpu.memory_space<vmem>>) target(%dma_start3A_315 : memref<4x768xf32, #tpu.memory_space<hbm>>) target_semaphore(%arg16 : memref<!tpu.dma_semaphore, #tpu.memory_space<semaphore_mem>>)
      %dma_start3A_319 = arith.constant 4 : i32
      %dma_start3A_320 = arith.constant 0 : i32
      %dma_start3A_321 = tpu.memref_slice %arg8[%dma_start3A_319, %dma_start3A_320] : memref<16x768xf32, #tpu.memory_space<vmem>> -> memref<4x768xf32, #tpu.memory_space<vmem>>
      %dma_start3A_322 = arith.constant 0 : i32
      %dma_start3A_323 = tpu.memref_slice %arg5[%add3A_298, %dma_start3A_322] : memref<8192x768xf32, #tpu.memory_space<hbm>> -> memref<4x768xf32, #tpu.memory_space<hbm>>
      %dma_start3A_324 = arith.constant 0 : i32
      %dma_start3A_325 = tpu.memref_slice %arg5[%add3A_298, %dma_start3A_324] : memref<8192x768xf32, #tpu.memory_space<hbm>> -> memref<4x768xf32, #tpu.memory_space<hbm>>
      %dma_start3A_326 = arith.constant 4 : i32
      %dma_start3A_327 = arith.constant 0 : i32
      %dma_start3A_328 = tpu.memref_slice %arg8[%dma_start3A_326, %dma_start3A_327] : memref<16x768xf32, #tpu.memory_space<vmem>> -> memref<4x768xf32, #tpu.memory_space<vmem>>
      tpu.enqueue_dma source(%dma_start3A_328 : memref<4x768xf32, #tpu.memory_space<vmem>>) target(%dma_start3A_325 : memref<4x768xf32, #tpu.memory_space<hbm>>) target_semaphore(%arg16 : memref<!tpu.dma_semaphore, #tpu.memory_space<semaphore_mem>>)
      %dma_start3A_329 = arith.constant 8 : i32
      %dma_start3A_330 = arith.constant 0 : i32
      %dma_start3A_331 = tpu.memref_slice %arg8[%dma_start3A_329, %dma_start3A_330] : memref<16x768xf32, #tpu.memory_space<vmem>> -> memref<4x768xf32, #tpu.memory_space<vmem>>
      %dma_start3A_332 = arith.constant 0 : i32
      %dma_start3A_333 = tpu.memref_slice %arg5[%add3A_303, %dma_start3A_332] : memref<8192x768xf32, #tpu.memory_space<hbm>> -> memref<4x768xf32, #tpu.memory_space<hbm>>
      %dma_start3A_334 = arith.constant 0 : i32
      %dma_start3A_335 = tpu.memref_slice %arg5[%add3A_303, %dma_start3A_334] : memref<8192x768xf32, #tpu.memory_space<hbm>> -> memref<4x768xf32, #tpu.memory_space<hbm>>
      %dma_start3A_336 = arith.constant 8 : i32
      %dma_start3A_337 = arith.constant 0 : i32
      %dma_start3A_338 = tpu.memref_slice %arg8[%dma_start3A_336, %dma_start3A_337] : memref<16x768xf32, #tpu.memory_space<vmem>> -> memref<4x768xf32, #tpu.memory_space<vmem>>
      tpu.enqueue_dma source(%dma_start3A_338 : memref<4x768xf32, #tpu.memory_space<vmem>>) target(%dma_start3A_335 : memref<4x768xf32, #tpu.memory_space<hbm>>) target_semaphore(%arg16 : memref<!tpu.dma_semaphore, #tpu.memory_space<semaphore_mem>>)
      %dma_start3A_339 = arith.constant 12 : i32
      %dma_start3A_340 = arith.constant 0 : i32
      %dma_start3A_341 = tpu.memref_slice %arg8[%dma_start3A_339, %dma_start3A_340] : memref<16x768xf32, #tpu.memory_space<vmem>> -> memref<4x768xf32, #tpu.memory_space<vmem>>
      %dma_start3A_342 = arith.constant 0 : i32
      %dma_start3A_343 = tpu.memref_slice %arg5[%add3A_308, %dma_start3A_342] : memref<8192x768xf32, #tpu.memory_space<hbm>> -> memref<4x768xf32, #tpu.memory_space<hbm>>
      %dma_start3A_344 = arith.constant 0 : i32
      %dma_start3A_345 = tpu.memref_slice %arg5[%add3A_308, %dma_start3A_344] : memref<8192x768xf32, #tpu.memory_space<hbm>> -> memref<4x768xf32, #tpu.memory_space<hbm>>
      %dma_start3A_346 = arith.constant 12 : i32
      %dma_start3A_347 = arith.constant 0 : i32
      %dma_start3A_348 = tpu.memref_slice %arg8[%dma_start3A_346, %dma_start3A_347] : memref<16x768xf32, #tpu.memory_space<vmem>> -> memref<4x768xf32, #tpu.memory_space<vmem>>
      tpu.enqueue_dma source(%dma_start3A_348 : memref<4x768xf32, #tpu.memory_space<vmem>>) target(%dma_start3A_345 : memref<4x768xf32, #tpu.memory_space<hbm>>) target_semaphore(%arg16 : memref<!tpu.dma_semaphore, #tpu.memory_space<semaphore_mem>>)
      %gt3A = arith.constant 0 : i32
      %gt3A_349 = arith.cmpi sgt, %scan3A_268, %gt3A : i32
      %convert_element_type3A = arith.extui %gt3A_349 : i1 to i32
      %cond3A = arith.constant 0 : i32
      %cond3A_350 = arith.cmpi ne, %convert_element_type3A, %cond3A : i32
      scf.if %cond3A_350 {
        %sub3A = arith.constant 1 : i32
        %sub3A_628 = arith.subi %scan3A_268, %sub3A : i32
        %mul3A_629 = arith.constant 4 : i32
        %mul3A_630 = arith.muli %sub3A_628, %mul3A_629 : i32
        %add3A_631 = arith.constant 2 : i32
        %add3A_632 = arith.addi %mul3A_630, %add3A_631 : i32
        %add3A_633 = arith.constant 0 : i32
        %add3A_634 = arith.addi %add3A_633, %mul3A_2 : i32
        %mul3A_635 = arith.constant 4 : i32
        %mul3A_636 = arith.muli %add3A_632, %mul3A_635 : i32
        %add3A_637 = arith.addi %add3A_634, %mul3A_636 : i32
        %add3A_638 = arith.constant 2048 : i32
        %add3A_639 = arith.addi %add3A_638, %mul3A_2 : i32
        %mul3A_640 = arith.constant 4 : i32
        %mul3A_641 = arith.muli %add3A_632, %mul3A_640 : i32
        %add3A_642 = arith.addi %add3A_639, %mul3A_641 : i32
        %add3A_643 = arith.constant 4096 : i32
        %add3A_644 = arith.addi %add3A_643, %mul3A_2 : i32
        %mul3A_645 = arith.constant 4 : i32
        %mul3A_646 = arith.muli %add3A_632, %mul3A_645 : i32
        %add3A_647 = arith.addi %add3A_644, %mul3A_646 : i32
        %add3A_648 = arith.constant 6144 : i32
        %add3A_649 = arith.addi %add3A_648, %mul3A_2 : i32
        %mul3A_650 = arith.constant 4 : i32
        %mul3A_651 = arith.muli %add3A_632, %mul3A_650 : i32
        %add3A_652 = arith.addi %add3A_649, %mul3A_651 : i32
        %dma_wait3A_653 = arith.constant 0 : i32
        %dma_wait3A_654 = arith.constant 0 : i32
        %dma_wait3A_655 = tpu.memref_slice %arg10[%dma_wait3A_653, %dma_wait3A_654] : memref<16x768xf32, #tpu.memory_space<vmem>> -> memref<4x768xf32, #tpu.memory_space<vmem>>
        %dma_wait3A_656 = arith.constant 0 : i32
        %dma_wait3A_657 = tpu.memref_slice %arg5[%add3A_637, %dma_wait3A_656] : memref<8192x768xf32, #tpu.memory_space<hbm>> -> memref<4x768xf32, #tpu.memory_space<hbm>>
        %dma_wait3A_658 = arith.constant 0 : i32
        %dma_wait3A_659 = tpu.memref_slice %arg5[%add3A_637, %dma_wait3A_658] : memref<8192x768xf32, #tpu.memory_space<hbm>> -> memref<4x768xf32, #tpu.memory_space<hbm>>
        %dma_wait3A_660 = arith.constant 0 : i32
        %dma_wait3A_661 = arith.constant 0 : i32
        %dma_wait3A_662 = tpu.memref_slice %arg10[%dma_wait3A_660, %dma_wait3A_661] : memref<16x768xf32, #tpu.memory_space<vmem>> -> memref<4x768xf32, #tpu.memory_space<vmem>>
        tpu.wait_dma2 semaphore(%arg18 : memref<!tpu.dma_semaphore, #tpu.memory_space<semaphore_mem>>) src(%dma_wait3A_662 : memref<4x768xf32, #tpu.memory_space<vmem>>) dst(%dma_wait3A_659 : memref<4x768xf32, #tpu.memory_space<hbm>>)
        %dma_wait3A_663 = arith.constant 4 : i32
        %dma_wait3A_664 = arith.constant 0 : i32
        %dma_wait3A_665 = tpu.memref_slice %arg10[%dma_wait3A_663, %dma_wait3A_664] : memref<16x768xf32, #tpu.memory_space<vmem>> -> memref<4x768xf32, #tpu.memory_space<vmem>>
        %dma_wait3A_666 = arith.constant 0 : i32
        %dma_wait3A_667 = tpu.memref_slice %arg5[%add3A_642, %dma_wait3A_666] : memref<8192x768xf32, #tpu.memory_space<hbm>> -> memref<4x768xf32, #tpu.memory_space<hbm>>
        %dma_wait3A_668 = arith.constant 0 : i32
        %dma_wait3A_669 = tpu.memref_slice %arg5[%add3A_642, %dma_wait3A_668] : memref<8192x768xf32, #tpu.memory_space<hbm>> -> memref<4x768xf32, #tpu.memory_space<hbm>>
        %dma_wait3A_670 = arith.constant 4 : i32
        %dma_wait3A_671 = arith.constant 0 : i32
        %dma_wait3A_672 = tpu.memref_slice %arg10[%dma_wait3A_670, %dma_wait3A_671] : memref<16x768xf32, #tpu.memory_space<vmem>> -> memref<4x768xf32, #tpu.memory_space<vmem>>
        tpu.wait_dma2 semaphore(%arg18 : memref<!tpu.dma_semaphore, #tpu.memory_space<semaphore_mem>>) src(%dma_wait3A_672 : memref<4x768xf32, #tpu.memory_space<vmem>>) dst(%dma_wait3A_669 : memref<4x768xf32, #tpu.memory_space<hbm>>)
        %dma_wait3A_673 = arith.constant 8 : i32
        %dma_wait3A_674 = arith.constant 0 : i32
        %dma_wait3A_675 = tpu.memref_slice %arg10[%dma_wait3A_673, %dma_wait3A_674] : memref<16x768xf32, #tpu.memory_space<vmem>> -> memref<4x768xf32, #tpu.memory_space<vmem>>
        %dma_wait3A_676 = arith.constant 0 : i32
        %dma_wait3A_677 = tpu.memref_slice %arg5[%add3A_647, %dma_wait3A_676] : memref<8192x768xf32, #tpu.memory_space<hbm>> -> memref<4x768xf32, #tpu.memory_space<hbm>>
        %dma_wait3A_678 = arith.constant 0 : i32
        %dma_wait3A_679 = tpu.memref_slice %arg5[%add3A_647, %dma_wait3A_678] : memref<8192x768xf32, #tpu.memory_space<hbm>> -> memref<4x768xf32, #tpu.memory_space<hbm>>
        %dma_wait3A_680 = arith.constant 8 : i32
        %dma_wait3A_681 = arith.constant 0 : i32
        %dma_wait3A_682 = tpu.memref_slice %arg10[%dma_wait3A_680, %dma_wait3A_681] : memref<16x768xf32, #tpu.memory_space<vmem>> -> memref<4x768xf32, #tpu.memory_space<vmem>>
        tpu.wait_dma2 semaphore(%arg18 : memref<!tpu.dma_semaphore, #tpu.memory_space<semaphore_mem>>) src(%dma_wait3A_682 : memref<4x768xf32, #tpu.memory_space<vmem>>) dst(%dma_wait3A_679 : memref<4x768xf32, #tpu.memory_space<hbm>>)
        %dma_wait3A_683 = arith.constant 12 : i32
        %dma_wait3A_684 = arith.constant 0 : i32
        %dma_wait3A_685 = tpu.memref_slice %arg10[%dma_wait3A_683, %dma_wait3A_684] : memref<16x768xf32, #tpu.memory_space<vmem>> -> memref<4x768xf32, #tpu.memory_space<vmem>>
        %dma_wait3A_686 = arith.constant 0 : i32
        %dma_wait3A_687 = tpu.memref_slice %arg5[%add3A_652, %dma_wait3A_686] : memref<8192x768xf32, #tpu.memory_space<hbm>> -> memref<4x768xf32, #tpu.memory_space<hbm>>
        %dma_wait3A_688 = arith.constant 0 : i32
        %dma_wait3A_689 = tpu.memref_slice %arg5[%add3A_652, %dma_wait3A_688] : memref<8192x768xf32, #tpu.memory_space<hbm>> -> memref<4x768xf32, #tpu.memory_space<hbm>>
        %dma_wait3A_690 = arith.constant 12 : i32
        %dma_wait3A_691 = arith.constant 0 : i32
        %dma_wait3A_692 = tpu.memref_slice %arg10[%dma_wait3A_690, %dma_wait3A_691] : memref<16x768xf32, #tpu.memory_space<vmem>> -> memref<4x768xf32, #tpu.memory_space<vmem>>
        tpu.wait_dma2 semaphore(%arg18 : memref<!tpu.dma_semaphore, #tpu.memory_space<semaphore_mem>>) src(%dma_wait3A_692 : memref<4x768xf32, #tpu.memory_space<vmem>>) dst(%dma_wait3A_689 : memref<4x768xf32, #tpu.memory_space<hbm>>)
      } else {
      }
      %mul3A_351 = arith.constant 4 : i32
      %mul3A_352 = arith.muli %scan3A_268, %mul3A_351 : i32
      %add3A_353 = arith.constant 2 : i32
      %add3A_354 = arith.addi %mul3A_352, %add3A_353 : i32
      %dma_start3A_355 = arith.constant 0 : i32
      %dma_start3A_356 = tpu.memref_slice %arg6[%add3A_354, %dma_start3A_355] : memref<16x16xi32, #tpu.memory_space<vmem>> -> memref<1x16xi32, #tpu.memory_space<vmem>>
      %dma_start3A_357 = tpu.memref_squeeze %dma_start3A_356 : memref<1x16xi32, #tpu.memory_space<vmem>> -> memref<16xi32, #tpu.memory_space<vmem>>
      %dma_start3A_358 = arith.constant 0 : i32
      %dma_start3A_359 = arith.constant 0 : i32
      %dma_start3A_360 = tpu.memref_slice %arg4[%dma_start3A_358, %dma_start3A_359] : memref<100000x768xf32, #tpu.memory_space<hbm>> -> memref<100000x768xf32, #tpu.memory_space<hbm>>
      tpu.enqueue_indirect_dma source(%dma_start3A_360 : memref<100000x768xf32, #tpu.memory_space<hbm>>) target(%arg10 : memref<16x768xf32, #tpu.memory_space<vmem>>) offsets(%dma_start3A_357 : memref<16xi32, #tpu.memory_space<vmem>>) semaphore(%arg14 : memref<!tpu.dma_semaphore, #tpu.memory_space<semaphore_mem>>)
      %mul3A_361 = arith.constant 4 : i32
      %mul3A_362 = arith.muli %scan3A_268, %mul3A_361 : i32
      %add3A_363 = arith.constant 1 : i32
      %add3A_364 = arith.addi %mul3A_362, %add3A_363 : i32
      %mul3A_365 = arith.constant 4 : i32
      %mul3A_366 = arith.muli %scan3A_268, %mul3A_365 : i32
      %add3A_367 = arith.constant 1 : i32
      %add3A_368 = arith.addi %mul3A_366, %add3A_367 : i32
      %dma_wait3A_369 = arith.constant 0 : i32
      %dma_wait3A_370 = tpu.memref_slice %arg6[%add3A_368, %dma_wait3A_369] : memref<16x16xi32, #tpu.memory_space<vmem>> -> memref<1x16xi32, #tpu.memory_space<vmem>>
      %dma_wait3A_371 = tpu.memref_squeeze %dma_wait3A_370 : memref<1x16xi32, #tpu.memory_space<vmem>> -> memref<16xi32, #tpu.memory_space<vmem>>
      %dma_wait3A_372 = arith.constant 0 : i32
      %dma_wait3A_373 = arith.constant 0 : i32
      %dma_wait3A_374 = tpu.memref_slice %arg4[%dma_wait3A_372, %dma_wait3A_373] : memref<100000x768xf32, #tpu.memory_space<hbm>> -> memref<100000x768xf32, #tpu.memory_space<hbm>>
      tpu.wait_indirect_dma semaphore(%arg13 : memref<!tpu.dma_semaphore, #tpu.memory_space<semaphore_mem>>) src(%dma_wait3A_374 : memref<100000x768xf32, #tpu.memory_space<hbm>>) dst(%arg9 : memref<16x768xf32, #tpu.memory_space<vmem>>)
      %parallel_loop3A_375 = arith.constant 0 : i32
      %parallel_loop3A_376 = arith.constant 4 : i32
      %parallel_loop3A_377 = arith.constant 1 : i32
      scf.for %parallel_loop3A_628 = %parallel_loop3A_375 to %parallel_loop3A_376 step %parallel_loop3A_377  : i32 {
        %parallel_loop3A_629 = arith.constant 0 : i32
        %parallel_loop3A_630 = arith.constant 768 : i32
        %parallel_loop3A_631 = arith.constant 16 : i32
        scf.for %parallel_loop3A_632 = %parallel_loop3A_629 to %parallel_loop3A_630 step %parallel_loop3A_631  : i32 {
          %parallel_loop3A_633 = arith.constant 4 : i32
          %parallel_loop3A_634 = arith.muli %add3A_364, %parallel_loop3A_633 : i32
          %parallel_loop3A_635 = arith.addi %parallel_loop3A_634, %parallel_loop3A_628 : i32
          %parallel_loop3A_636 = arith.index_cast %parallel_loop3A_635 : i32 to index
          %parallel_loop3A_637 = arith.index_cast %parallel_loop3A_632 : i32 to index
          %parallel_loop3A_638 = tpu.vector_load %arg7[%parallel_loop3A_636, %parallel_loop3A_637] {strides = array<i32>} : memref<64x768xf32, #tpu.memory_space<vmem>>, vector<1x16xf32>,
          %parallel_loop3A_639 = vector.shape_cast %parallel_loop3A_638 : vector<1x16xf32> to vector<16xf32>
          %parallel_loop3A_640 = arith.constant 0 : i32
          %parallel_loop3A_641 = arith.addi %parallel_loop3A_640, %parallel_loop3A_628 : i32
          %parallel_loop3A_642 = arith.index_cast %parallel_loop3A_641 : i32 to index
          %parallel_loop3A_643 = arith.index_cast %parallel_loop3A_632 : i32 to index
          %parallel_loop3A_644 = tpu.vector_load %arg9[%parallel_loop3A_642, %parallel_loop3A_643] {strides = array<i32>} : memref<16x768xf32, #tpu.memory_space<vmem>>, vector<1x16xf32>,
          %parallel_loop3A_645 = vector.shape_cast %parallel_loop3A_644 : vector<1x16xf32> to vector<16xf32>
          %parallel_loop3A_646 = vector.shape_cast %parallel_loop3A_639 : vector<16xf32> to vector<1x16xf32>
          tpu.vector_store %arg9[%parallel_loop3A_642, %parallel_loop3A_643], %parallel_loop3A_646 {add = true, strides = array<i32>} : memref<16x768xf32, #tpu.memory_space<vmem>>, vector<1x16xf32>,
          %parallel_loop3A_647 = arith.constant 4 : i32
          %parallel_loop3A_648 = arith.addi %parallel_loop3A_647, %parallel_loop3A_628 : i32
          %parallel_loop3A_649 = arith.index_cast %parallel_loop3A_648 : i32 to index
          %parallel_loop3A_650 = arith.index_cast %parallel_loop3A_632 : i32 to index
          %parallel_loop3A_651 = tpu.vector_load %arg9[%parallel_loop3A_649, %parallel_loop3A_650] {strides = array<i32>} : memref<16x768xf32, #tpu.memory_space<vmem>>, vector<1x16xf32>,
          %parallel_loop3A_652 = vector.shape_cast %parallel_loop3A_651 : vector<1x16xf32> to vector<16xf32>
          %parallel_loop3A_653 = vector.shape_cast %parallel_loop3A_639 : vector<16xf32> to vector<1x16xf32>
          tpu.vector_store %arg9[%parallel_loop3A_649, %parallel_loop3A_650], %parallel_loop3A_653 {add = true, strides = array<i32>} : memref<16x768xf32, #tpu.memory_space<vmem>>, vector<1x16xf32>,
          %parallel_loop3A_654 = arith.constant 8 : i32
          %parallel_loop3A_655 = arith.addi %parallel_loop3A_654, %parallel_loop3A_628 : i32
          %parallel_loop3A_656 = arith.index_cast %parallel_loop3A_655 : i32 to index
          %parallel_loop3A_657 = arith.index_cast %parallel_loop3A_632 : i32 to index
          %parallel_loop3A_658 = tpu.vector_load %arg9[%parallel_loop3A_656, %parallel_loop3A_657] {strides = array<i32>} : memref<16x768xf32, #tpu.memory_space<vmem>>, vector<1x16xf32>,
          %parallel_loop3A_659 = vector.shape_cast %parallel_loop3A_658 : vector<1x16xf32> to vector<16xf32>
          %parallel_loop3A_660 = vector.shape_cast %parallel_loop3A_639 : vector<16xf32> to vector<1x16xf32>
          tpu.vector_store %arg9[%parallel_loop3A_656, %parallel_loop3A_657], %parallel_loop3A_660 {add = true, strides = array<i32>} : memref<16x768xf32, #tpu.memory_space<vmem>>, vector<1x16xf32>,
          %parallel_loop3A_661 = arith.constant 12 : i32
          %parallel_loop3A_662 = arith.addi %parallel_loop3A_661, %parallel_loop3A_628 : i32
          %parallel_loop3A_663 = arith.index_cast %parallel_loop3A_662 : i32 to index
          %parallel_loop3A_664 = arith.index_cast %parallel_loop3A_632 : i32 to index
          %parallel_loop3A_665 = tpu.vector_load %arg9[%parallel_loop3A_663, %parallel_loop3A_664] {strides = array<i32>} : memref<16x768xf32, #tpu.memory_space<vmem>>, vector<1x16xf32>,
          %parallel_loop3A_666 = vector.shape_cast %parallel_loop3A_665 : vector<1x16xf32> to vector<16xf32>
          %parallel_loop3A_667 = vector.shape_cast %parallel_loop3A_639 : vector<16xf32> to vector<1x16xf32>
          tpu.vector_store %arg9[%parallel_loop3A_663, %parallel_loop3A_664], %parallel_loop3A_667 {add = true, strides = array<i32>} : memref<16x768xf32, #tpu.memory_space<vmem>>, vector<1x16xf32>,
        } {sc.loop_unroll_factor = 4 : i64, sc.parallel_access}
      } {sc.loop_unroll_factor = 1 : i64, sc.parallel_access}
      %mul3A_378 = arith.constant 4 : i32
      %mul3A_379 = arith.muli %scan3A_268, %mul3A_378 : i32
      %add3A_380 = arith.constant 1 : i32
      %add3A_381 = arith.addi %mul3A_379, %add3A_380 : i32
      %add3A_382 = arith.constant 0 : i32
      %add3A_383 = arith.addi %add3A_382, %mul3A_2 : i32
      %mul3A_384 = arith.constant 4 : i32
      %mul3A_385 = arith.muli %add3A_381, %mul3A_384 : i32
      %add3A_386 = arith.addi %add3A_383, %mul3A_385 : i32
      %add3A_387 = arith.constant 2048 : i32
      %add3A_388 = arith.addi %add3A_387, %mul3A_2 : i32
      %mul3A_389 = arith.constant 4 : i32
      %mul3A_390 = arith.muli %add3A_381, %mul3A_389 : i32
      %add3A_391 = arith.addi %add3A_388, %mul3A_390 : i32
      %add3A_392 = arith.constant 4096 : i32
      %add3A_393 = arith.addi %add3A_392, %mul3A_2 : i32
      %mul3A_394 = arith.constant 4 : i32
      %mul3A_395 = arith.muli %add3A_381, %mul3A_394 : i32
      %add3A_396 = arith.addi %add3A_393, %mul3A_395 : i32
      %add3A_397 = arith.constant 6144 : i32
      %add3A_398 = arith.addi %add3A_397, %mul3A_2 : i32
      %mul3A_399 = arith.constant 4 : i32
      %mul3A_400 = arith.muli %add3A_381, %mul3A_399 : i32
      %add3A_401 = arith.addi %add3A_398, %mul3A_400 : i32
      %dma_start3A_402 = arith.constant 0 : i32
      %dma_start3A_403 = arith.constant 0 : i32
      %dma_start3A_404 = tpu.memref_slice %arg9[%dma_start3A_402, %dma_start3A_403] : memref<16x768xf32, #tpu.memory_space<vmem>> -> memref<4x768xf32, #tpu.memory_space<vmem>>
      %dma_start3A_405 = arith.constant 0 : i32
      %dma_start3A_406 = tpu.memref_slice %arg5[%add3A_386, %dma_start3A_405] : memref<8192x768xf32, #tpu.memory_space<hbm>> -> memref<4x768xf32, #tpu.memory_space<hbm>>
      %dma_start3A_407 = arith.constant 0 : i32
      %dma_start3A_408 = tpu.memref_slice %arg5[%add3A_386, %dma_start3A_407] : memref<8192x768xf32, #tpu.memory_space<hbm>> -> memref<4x768xf32, #tpu.memory_space<hbm>>
      %dma_start3A_409 = arith.constant 0 : i32
      %dma_start3A_410 = arith.constant 0 : i32
      %dma_start3A_411 = tpu.memref_slice %arg9[%dma_start3A_409, %dma_start3A_410] : memref<16x768xf32, #tpu.memory_space<vmem>> -> memref<4x768xf32, #tpu.memory_space<vmem>>
      tpu.enqueue_dma source(%dma_start3A_411 : memref<4x768xf32, #tpu.memory_space<vmem>>) target(%dma_start3A_408 : memref<4x768xf32, #tpu.memory_space<hbm>>) target_semaphore(%arg17 : memref<!tpu.dma_semaphore, #tpu.memory_space<semaphore_mem>>)
      %dma_start3A_412 = arith.constant 4 : i32
      %dma_start3A_413 = arith.constant 0 : i32
      %dma_start3A_414 = tpu.memref_slice %arg9[%dma_start3A_412, %dma_start3A_413] : memref<16x768xf32, #tpu.memory_space<vmem>> -> memref<4x768xf32, #tpu.memory_space<vmem>>
      %dma_start3A_415 = arith.constant 0 : i32
      %dma_start3A_416 = tpu.memref_slice %arg5[%add3A_391, %dma_start3A_415] : memref<8192x768xf32, #tpu.memory_space<hbm>> -> memref<4x768xf32, #tpu.memory_space<hbm>>
      %dma_start3A_417 = arith.constant 0 : i32
      %dma_start3A_418 = tpu.memref_slice %arg5[%add3A_391, %dma_start3A_417] : memref<8192x768xf32, #tpu.memory_space<hbm>> -> memref<4x768xf32, #tpu.memory_space<hbm>>
      %dma_start3A_419 = arith.constant 4 : i32
      %dma_start3A_420 = arith.constant 0 : i32
      %dma_start3A_421 = tpu.memref_slice %arg9[%dma_start3A_419, %dma_start3A_420] : memref<16x768xf32, #tpu.memory_space<vmem>> -> memref<4x768xf32, #tpu.memory_space<vmem>>
      tpu.enqueue_dma source(%dma_start3A_421 : memref<4x768xf32, #tpu.memory_space<vmem>>) target(%dma_start3A_418 : memref<4x768xf32, #tpu.memory_space<hbm>>) target_semaphore(%arg17 : memref<!tpu.dma_semaphore, #tpu.memory_space<semaphore_mem>>)
      %dma_start3A_422 = arith.constant 8 : i32
      %dma_start3A_423 = arith.constant 0 : i32
      %dma_start3A_424 = tpu.memref_slice %arg9[%dma_start3A_422, %dma_start3A_423] : memref<16x768xf32, #tpu.memory_space<vmem>> -> memref<4x768xf32, #tpu.memory_space<vmem>>
      %dma_start3A_425 = arith.constant 0 : i32
      %dma_start3A_426 = tpu.memref_slice %arg5[%add3A_396, %dma_start3A_425] : memref<8192x768xf32, #tpu.memory_space<hbm>> -> memref<4x768xf32, #tpu.memory_space<hbm>>
      %dma_start3A_427 = arith.constant 0 : i32
      %dma_start3A_428 = tpu.memref_slice %arg5[%add3A_396, %dma_start3A_427] : memref<8192x768xf32, #tpu.memory_space<hbm>> -> memref<4x768xf32, #tpu.memory_space<hbm>>
      %dma_start3A_429 = arith.constant 8 : i32
      %dma_start3A_430 = arith.constant 0 : i32
      %dma_start3A_431 = tpu.memref_slice %arg9[%dma_start3A_429, %dma_start3A_430] : memref<16x768xf32, #tpu.memory_space<vmem>> -> memref<4x768xf32, #tpu.memory_space<vmem>>
      tpu.enqueue_dma source(%dma_start3A_431 : memref<4x768xf32, #tpu.memory_space<vmem>>) target(%dma_start3A_428 : memref<4x768xf32, #tpu.memory_space<hbm>>) target_semaphore(%arg17 : memref<!tpu.dma_semaphore, #tpu.memory_space<semaphore_mem>>)
      %dma_start3A_432 = arith.constant 12 : i32
      %dma_start3A_433 = arith.constant 0 : i32
      %dma_start3A_434 = tpu.memref_slice %arg9[%dma_start3A_432, %dma_start3A_433] : memref<16x768xf32, #tpu.memory_space<vmem>> -> memref<4x768xf32, #tpu.memory_space<vmem>>
      %dma_start3A_435 = arith.constant 0 : i32
      %dma_start3A_436 = tpu.memref_slice %arg5[%add3A_401, %dma_start3A_435] : memref<8192x768xf32, #tpu.memory_space<hbm>> -> memref<4x768xf32, #tpu.memory_space<hbm>>
      %dma_start3A_437 = arith.constant 0 : i32
      %dma_start3A_438 = tpu.memref_slice %arg5[%add3A_401, %dma_start3A_437] : memref<8192x768xf32, #tpu.memory_space<hbm>> -> memref<4x768xf32, #tpu.memory_space<hbm>>
      %dma_start3A_439 = arith.constant 12 : i32
      %dma_start3A_440 = arith.constant 0 : i32
      %dma_start3A_441 = tpu.memref_slice %arg9[%dma_start3A_439, %dma_start3A_440] : memref<16x768xf32, #tpu.memory_space<vmem>> -> memref<4x768xf32, #tpu.memory_space<vmem>>
      tpu.enqueue_dma source(%dma_start3A_441 : memref<4x768xf32, #tpu.memory_space<vmem>>) target(%dma_start3A_438 : memref<4x768xf32, #tpu.memory_space<hbm>>) target_semaphore(%arg17 : memref<!tpu.dma_semaphore, #tpu.memory_space<semaphore_mem>>)
      %gt3A_442 = arith.constant 0 : i32
      %gt3A_443 = arith.cmpi sgt, %scan3A_268, %gt3A_442 : i32
      %convert_element_type3A_444 = arith.extui %gt3A_443 : i1 to i32
      %cond3A_445 = arith.constant 0 : i32
      %cond3A_446 = arith.cmpi ne, %convert_element_type3A_444, %cond3A_445 : i32
      scf.if %cond3A_446 {
        %sub3A = arith.constant 1 : i32
        %sub3A_628 = arith.subi %scan3A_268, %sub3A : i32
        %mul3A_629 = arith.constant 4 : i32
        %mul3A_630 = arith.muli %sub3A_628, %mul3A_629 : i32
        %add3A_631 = arith.constant 3 : i32
        %add3A_632 = arith.addi %mul3A_630, %add3A_631 : i32
        %add3A_633 = arith.constant 0 : i32
        %add3A_634 = arith.addi %add3A_633, %mul3A_2 : i32
        %mul3A_635 = arith.constant 4 : i32
        %mul3A_636 = arith.muli %add3A_632, %mul3A_635 : i32
        %add3A_637 = arith.addi %add3A_634, %mul3A_636 : i32
        %add3A_638 = arith.constant 2048 : i32
        %add3A_639 = arith.addi %add3A_638, %mul3A_2 : i32
        %mul3A_640 = arith.constant 4 : i32
        %mul3A_641 = arith.muli %add3A_632, %mul3A_640 : i32
        %add3A_642 = arith.addi %add3A_639, %mul3A_641 : i32
        %add3A_643 = arith.constant 4096 : i32
        %add3A_644 = arith.addi %add3A_643, %mul3A_2 : i32
        %mul3A_645 = arith.constant 4 : i32
        %mul3A_646 = arith.muli %add3A_632, %mul3A_645 : i32
        %add3A_647 = arith.addi %add3A_644, %mul3A_646 : i32
        %add3A_648 = arith.constant 6144 : i32
        %add3A_649 = arith.addi %add3A_648, %mul3A_2 : i32
        %mul3A_650 = arith.constant 4 : i32
        %mul3A_651 = arith.muli %add3A_632, %mul3A_650 : i32
        %add3A_652 = arith.addi %add3A_649, %mul3A_651 : i32
        %dma_wait3A_653 = arith.constant 0 : i32
        %dma_wait3A_654 = arith.constant 0 : i32
        %dma_wait3A_655 = tpu.memref_slice %arg11[%dma_wait3A_653, %dma_wait3A_654] : memref<16x768xf32, #tpu.memory_space<vmem>> -> memref<4x768xf32, #tpu.memory_space<vmem>>
        %dma_wait3A_656 = arith.constant 0 : i32
        %dma_wait3A_657 = tpu.memref_slice %arg5[%add3A_637, %dma_wait3A_656] : memref<8192x768xf32, #tpu.memory_space<hbm>> -> memref<4x768xf32, #tpu.memory_space<hbm>>
        %dma_wait3A_658 = arith.constant 0 : i32
        %dma_wait3A_659 = tpu.memref_slice %arg5[%add3A_637, %dma_wait3A_658] : memref<8192x768xf32, #tpu.memory_space<hbm>> -> memref<4x768xf32, #tpu.memory_space<hbm>>
        %dma_wait3A_660 = arith.constant 0 : i32
        %dma_wait3A_661 = arith.constant 0 : i32
        %dma_wait3A_662 = tpu.memref_slice %arg11[%dma_wait3A_660, %dma_wait3A_661] : memref<16x768xf32, #tpu.memory_space<vmem>> -> memref<4x768xf32, #tpu.memory_space<vmem>>
        tpu.wait_dma2 semaphore(%arg19 : memref<!tpu.dma_semaphore, #tpu.memory_space<semaphore_mem>>) src(%dma_wait3A_662 : memref<4x768xf32, #tpu.memory_space<vmem>>) dst(%dma_wait3A_659 : memref<4x768xf32, #tpu.memory_space<hbm>>)
        %dma_wait3A_663 = arith.constant 4 : i32
        %dma_wait3A_664 = arith.constant 0 : i32
        %dma_wait3A_665 = tpu.memref_slice %arg11[%dma_wait3A_663, %dma_wait3A_664] : memref<16x768xf32, #tpu.memory_space<vmem>> -> memref<4x768xf32, #tpu.memory_space<vmem>>
        %dma_wait3A_666 = arith.constant 0 : i32
        %dma_wait3A_667 = tpu.memref_slice %arg5[%add3A_642, %dma_wait3A_666] : memref<8192x768xf32, #tpu.memory_space<hbm>> -> memref<4x768xf32, #tpu.memory_space<hbm>>
        %dma_wait3A_668 = arith.constant 0 : i32
        %dma_wait3A_669 = tpu.memref_slice %arg5[%add3A_642, %dma_wait3A_668] : memref<8192x768xf32, #tpu.memory_space<hbm>> -> memref<4x768xf32, #tpu.memory_space<hbm>>
        %dma_wait3A_670 = arith.constant 4 : i32
        %dma_wait3A_671 = arith.constant 0 : i32
        %dma_wait3A_672 = tpu.memref_slice %arg11[%dma_wait3A_670, %dma_wait3A_671] : memref<16x768xf32, #tpu.memory_space<vmem>> -> memref<4x768xf32, #tpu.memory_space<vmem>>
        tpu.wait_dma2 semaphore(%arg19 : memref<!tpu.dma_semaphore, #tpu.memory_space<semaphore_mem>>) src(%dma_wait3A_672 : memref<4x768xf32, #tpu.memory_space<vmem>>) dst(%dma_wait3A_669 : memref<4x768xf32, #tpu.memory_space<hbm>>)
        %dma_wait3A_673 = arith.constant 8 : i32
        %dma_wait3A_674 = arith.constant 0 : i32
        %dma_wait3A_675 = tpu.memref_slice %arg11[%dma_wait3A_673, %dma_wait3A_674] : memref<16x768xf32, #tpu.memory_space<vmem>> -> memref<4x768xf32, #tpu.memory_space<vmem>>
        %dma_wait3A_676 = arith.constant 0 : i32
        %dma_wait3A_677 = tpu.memref_slice %arg5[%add3A_647, %dma_wait3A_676] : memref<8192x768xf32, #tpu.memory_space<hbm>> -> memref<4x768xf32, #tpu.memory_space<hbm>>
        %dma_wait3A_678 = arith.constant 0 : i32
        %dma_wait3A_679 = tpu.memref_slice %arg5[%add3A_647, %dma_wait3A_678] : memref<8192x768xf32, #tpu.memory_space<hbm>> -> memref<4x768xf32, #tpu.memory_space<hbm>>
        %dma_wait3A_680 = arith.constant 8 : i32
        %dma_wait3A_681 = arith.constant 0 : i32
        %dma_wait3A_682 = tpu.memref_slice %arg11[%dma_wait3A_680, %dma_wait3A_681] : memref<16x768xf32, #tpu.memory_space<vmem>> -> memref<4x768xf32, #tpu.memory_space<vmem>>
        tpu.wait_dma2 semaphore(%arg19 : memref<!tpu.dma_semaphore, #tpu.memory_space<semaphore_mem>>) src(%dma_wait3A_682 : memref<4x768xf32, #tpu.memory_space<vmem>>) dst(%dma_wait3A_679 : memref<4x768xf32, #tpu.memory_space<hbm>>)
        %dma_wait3A_683 = arith.constant 12 : i32
        %dma_wait3A_684 = arith.constant 0 : i32
        %dma_wait3A_685 = tpu.memref_slice %arg11[%dma_wait3A_683, %dma_wait3A_684] : memref<16x768xf32, #tpu.memory_space<vmem>> -> memref<4x768xf32, #tpu.memory_space<vmem>>
        %dma_wait3A_686 = arith.constant 0 : i32
        %dma_wait3A_687 = tpu.memref_slice %arg5[%add3A_652, %dma_wait3A_686] : memref<8192x768xf32, #tpu.memory_space<hbm>> -> memref<4x768xf32, #tpu.memory_space<hbm>>
        %dma_wait3A_688 = arith.constant 0 : i32
        %dma_wait3A_689 = tpu.memref_slice %arg5[%add3A_652, %dma_wait3A_688] : memref<8192x768xf32, #tpu.memory_space<hbm>> -> memref<4x768xf32, #tpu.memory_space<hbm>>
        %dma_wait3A_690 = arith.constant 12 : i32
        %dma_wait3A_691 = arith.constant 0 : i32
        %dma_wait3A_692 = tpu.memref_slice %arg11[%dma_wait3A_690, %dma_wait3A_691] : memref<16x768xf32, #tpu.memory_space<vmem>> -> memref<4x768xf32, #tpu.memory_space<vmem>>
        tpu.wait_dma2 semaphore(%arg19 : memref<!tpu.dma_semaphore, #tpu.memory_space<semaphore_mem>>) src(%dma_wait3A_692 : memref<4x768xf32, #tpu.memory_space<vmem>>) dst(%dma_wait3A_689 : memref<4x768xf32, #tpu.memory_space<hbm>>)
      } else {
      }
      %mul3A_447 = arith.constant 4 : i32
      %mul3A_448 = arith.muli %scan3A_268, %mul3A_447 : i32
      %add3A_449 = arith.constant 3 : i32
      %add3A_450 = arith.addi %mul3A_448, %add3A_449 : i32
      %dma_start3A_451 = arith.constant 0 : i32
      %dma_start3A_452 = tpu.memref_slice %arg6[%add3A_450, %dma_start3A_451] : memref<16x16xi32, #tpu.memory_space<vmem>> -> memref<1x16xi32, #tpu.memory_space<vmem>>
      %dma_start3A_453 = tpu.memref_squeeze %dma_start3A_452 : memref<1x16xi32, #tpu.memory_space<vmem>> -> memref<16xi32, #tpu.memory_space<vmem>>
      %dma_start3A_454 = arith.constant 0 : i32
      %dma_start3A_455 = arith.constant 0 : i32
      %dma_start3A_456 = tpu.memref_slice %arg4[%dma_start3A_454, %dma_start3A_455] : memref<100000x768xf32, #tpu.memory_space<hbm>> -> memref<100000x768xf32, #tpu.memory_space<hbm>>
      tpu.enqueue_indirect_dma source(%dma_start3A_456 : memref<100000x768xf32, #tpu.memory_space<hbm>>) target(%arg11 : memref<16x768xf32, #tpu.memory_space<vmem>>) offsets(%dma_start3A_453 : memref<16xi32, #tpu.memory_space<vmem>>) semaphore(%arg15 : memref<!tpu.dma_semaphore, #tpu.memory_space<semaphore_mem>>)
      %mul3A_457 = arith.constant 4 : i32
      %mul3A_458 = arith.muli %scan3A_268, %mul3A_457 : i32
      %add3A_459 = arith.constant 2 : i32
      %add3A_460 = arith.addi %mul3A_458, %add3A_459 : i32
      %mul3A_461 = arith.constant 4 : i32
      %mul3A_462 = arith.muli %scan3A_268, %mul3A_461 : i32
      %add3A_463 = arith.constant 2 : i32
      %add3A_464 = arith.addi %mul3A_462, %add3A_463 : i32
      %dma_wait3A_465 = arith.constant 0 : i32
      %dma_wait3A_466 = tpu.memref_slice %arg6[%add3A_464, %dma_wait3A_465] : memref<16x16xi32, #tpu.memory_space<vmem>> -> memref<1x16xi32, #tpu.memory_space<vmem>>
      %dma_wait3A_467 = tpu.memref_squeeze %dma_wait3A_466 : memref<1x16xi32, #tpu.memory_space<vmem>> -> memref<16xi32, #tpu.memory_space<vmem>>
      %dma_wait3A_468 = arith.constant 0 : i32
      %dma_wait3A_469 = arith.constant 0 : i32
      %dma_wait3A_470 = tpu.memref_slice %arg4[%dma_wait3A_468, %dma_wait3A_469] : memref<100000x768xf32, #tpu.memory_space<hbm>> -> memref<100000x768xf32, #tpu.memory_space<hbm>>
      tpu.wait_indirect_dma semaphore(%arg14 : memref<!tpu.dma_semaphore, #tpu.memory_space<semaphore_mem>>) src(%dma_wait3A_470 : memref<100000x768xf32, #tpu.memory_space<hbm>>) dst(%arg10 : memref<16x768xf32, #tpu.memory_space<vmem>>)
      %parallel_loop3A_471 = arith.constant 0 : i32
      %parallel_loop3A_472 = arith.constant 4 : i32
      %parallel_loop3A_473 = arith.constant 1 : i32
      scf.for %parallel_loop3A_628 = %parallel_loop3A_471 to %parallel_loop3A_472 step %parallel_loop3A_473  : i32 {
        %parallel_loop3A_629 = arith.constant 0 : i32
        %parallel_loop3A_630 = arith.constant 768 : i32
        %parallel_loop3A_631 = arith.constant 16 : i32
        scf.for %parallel_loop3A_632 = %parallel_loop3A_629 to %parallel_loop3A_630 step %parallel_loop3A_631  : i32 {
          %parallel_loop3A_633 = arith.constant 4 : i32
          %parallel_loop3A_634 = arith.muli %add3A_460, %parallel_loop3A_633 : i32
          %parallel_loop3A_635 = arith.addi %parallel_loop3A_634, %parallel_loop3A_628 : i32
          %parallel_loop3A_636 = arith.index_cast %parallel_loop3A_635 : i32 to index
          %parallel_loop3A_637 = arith.index_cast %parallel_loop3A_632 : i32 to index
          %parallel_loop3A_638 = tpu.vector_load %arg7[%parallel_loop3A_636, %parallel_loop3A_637] {strides = array<i32>} : memref<64x768xf32, #tpu.memory_space<vmem>>, vector<1x16xf32>,
          %parallel_loop3A_639 = vector.shape_cast %parallel_loop3A_638 : vector<1x16xf32> to vector<16xf32>
          %parallel_loop3A_640 = arith.constant 0 : i32
          %parallel_loop3A_641 = arith.addi %parallel_loop3A_640, %parallel_loop3A_628 : i32
          %parallel_loop3A_642 = arith.index_cast %parallel_loop3A_641 : i32 to index
          %parallel_loop3A_643 = arith.index_cast %parallel_loop3A_632 : i32 to index
          %parallel_loop3A_644 = tpu.vector_load %arg10[%parallel_loop3A_642, %parallel_loop3A_643] {strides = array<i32>} : memref<16x768xf32, #tpu.memory_space<vmem>>, vector<1x16xf32>,
          %parallel_loop3A_645 = vector.shape_cast %parallel_loop3A_644 : vector<1x16xf32> to vector<16xf32>
          %parallel_loop3A_646 = vector.shape_cast %parallel_loop3A_639 : vector<16xf32> to vector<1x16xf32>
          tpu.vector_store %arg10[%parallel_loop3A_642, %parallel_loop3A_643], %parallel_loop3A_646 {add = true, strides = array<i32>} : memref<16x768xf32, #tpu.memory_space<vmem>>, vector<1x16xf32>,
          %parallel_loop3A_647 = arith.constant 4 : i32
          %parallel_loop3A_648 = arith.addi %parallel_loop3A_647, %parallel_loop3A_628 : i32
          %parallel_loop3A_649 = arith.index_cast %parallel_loop3A_648 : i32 to index
          %parallel_loop3A_650 = arith.index_cast %parallel_loop3A_632 : i32 to index
          %parallel_loop3A_651 = tpu.vector_load %arg10[%parallel_loop3A_649, %parallel_loop3A_650] {strides = array<i32>} : memref<16x768xf32, #tpu.memory_space<vmem>>, vector<1x16xf32>,
          %parallel_loop3A_652 = vector.shape_cast %parallel_loop3A_651 : vector<1x16xf32> to vector<16xf32>
          %parallel_loop3A_653 = vector.shape_cast %parallel_loop3A_639 : vector<16xf32> to vector<1x16xf32>
          tpu.vector_store %arg10[%parallel_loop3A_649, %parallel_loop3A_650], %parallel_loop3A_653 {add = true, strides = array<i32>} : memref<16x768xf32, #tpu.memory_space<vmem>>, vector<1x16xf32>,
          %parallel_loop3A_654 = arith.constant 8 : i32
          %parallel_loop3A_655 = arith.addi %parallel_loop3A_654, %parallel_loop3A_628 : i32
          %parallel_loop3A_656 = arith.index_cast %parallel_loop3A_655 : i32 to index
          %parallel_loop3A_657 = arith.index_cast %parallel_loop3A_632 : i32 to index
          %parallel_loop3A_658 = tpu.vector_load %arg10[%parallel_loop3A_656, %parallel_loop3A_657] {strides = array<i32>} : memref<16x768xf32, #tpu.memory_space<vmem>>, vector<1x16xf32>,
          %parallel_loop3A_659 = vector.shape_cast %parallel_loop3A_658 : vector<1x16xf32> to vector<16xf32>
          %parallel_loop3A_660 = vector.shape_cast %parallel_loop3A_639 : vector<16xf32> to vector<1x16xf32>
          tpu.vector_store %arg10[%parallel_loop3A_656, %parallel_loop3A_657], %parallel_loop3A_660 {add = true, strides = array<i32>} : memref<16x768xf32, #tpu.memory_space<vmem>>, vector<1x16xf32>,
          %parallel_loop3A_661 = arith.constant 12 : i32
          %parallel_loop3A_662 = arith.addi %parallel_loop3A_661, %parallel_loop3A_628 : i32
          %parallel_loop3A_663 = arith.index_cast %parallel_loop3A_662 : i32 to index
          %parallel_loop3A_664 = arith.index_cast %parallel_loop3A_632 : i32 to index
          %parallel_loop3A_665 = tpu.vector_load %arg10[%parallel_loop3A_663, %parallel_loop3A_664] {strides = array<i32>} : memref<16x768xf32, #tpu.memory_space<vmem>>, vector<1x16xf32>,
          %parallel_loop3A_666 = vector.shape_cast %parallel_loop3A_665 : vector<1x16xf32> to vector<16xf32>
          %parallel_loop3A_667 = vector.shape_cast %parallel_loop3A_639 : vector<16xf32> to vector<1x16xf32>
          tpu.vector_store %arg10[%parallel_loop3A_663, %parallel_loop3A_664], %parallel_loop3A_667 {add = true, strides = array<i32>} : memref<16x768xf32, #tpu.memory_space<vmem>>, vector<1x16xf32>,
        } {sc.loop_unroll_factor = 4 : i64, sc.parallel_access}
      } {sc.loop_unroll_factor = 1 : i64, sc.parallel_access}
      %mul3A_474 = arith.constant 4 : i32
      %mul3A_475 = arith.muli %scan3A_268, %mul3A_474 : i32
      %add3A_476 = arith.constant 2 : i32
      %add3A_477 = arith.addi %mul3A_475, %add3A_476 : i32
      %add3A_478 = arith.constant 0 : i32
      %add3A_479 = arith.addi %add3A_478, %mul3A_2 : i32
      %mul3A_480 = arith.constant 4 : i32
      %mul3A_481 = arith.muli %add3A_477, %mul3A_480 : i32
      %add3A_482 = arith.addi %add3A_479, %mul3A_481 : i32
      %add3A_483 = arith.constant 2048 : i32
      %add3A_484 = arith.addi %add3A_483, %mul3A_2 : i32
      %mul3A_485 = arith.constant 4 : i32
      %mul3A_486 = arith.muli %add3A_477, %mul3A_485 : i32
      %add3A_487 = arith.addi %add3A_484, %mul3A_486 : i32
      %add3A_488 = arith.constant 4096 : i32
      %add3A_489 = arith.addi %add3A_488, %mul3A_2 : i32
      %mul3A_490 = arith.constant 4 : i32
      %mul3A_491 = arith.muli %add3A_477, %mul3A_490 : i32
      %add3A_492 = arith.addi %add3A_489, %mul3A_491 : i32
      %add3A_493 = arith.constant 6144 : i32
      %add3A_494 = arith.addi %add3A_493, %mul3A_2 : i32
      %mul3A_495 = arith.constant 4 : i32
      %mul3A_496 = arith.muli %add3A_477, %mul3A_495 : i32
      %add3A_497 = arith.addi %add3A_494, %mul3A_496 : i32
      %dma_start3A_498 = arith.constant 0 : i32
      %dma_start3A_499 = arith.constant 0 : i32
      %dma_start3A_500 = tpu.memref_slice %arg10[%dma_start3A_498, %dma_start3A_499] : memref<16x768xf32, #tpu.memory_space<vmem>> -> memref<4x768xf32, #tpu.memory_space<vmem>>
      %dma_start3A_501 = arith.constant 0 : i32
      %dma_start3A_502 = tpu.memref_slice %arg5[%add3A_482, %dma_start3A_501] : memref<8192x768xf32, #tpu.memory_space<hbm>> -> memref<4x768xf32, #tpu.memory_space<hbm>>
      %dma_start3A_503 = arith.constant 0 : i32
      %dma_start3A_504 = tpu.memref_slice %arg5[%add3A_482, %dma_start3A_503] : memref<8192x768xf32, #tpu.memory_space<hbm>> -> memref<4x768xf32, #tpu.memory_space<hbm>>
      %dma_start3A_505 = arith.constant 0 : i32
      %dma_start3A_506 = arith.constant 0 : i32
      %dma_start3A_507 = tpu.memref_slice %arg10[%dma_start3A_505, %dma_start3A_506] : memref<16x768xf32, #tpu.memory_space<vmem>> -> memref<4x768xf32, #tpu.memory_space<vmem>>
      tpu.enqueue_dma source(%dma_start3A_507 : memref<4x768xf32, #tpu.memory_space<vmem>>) target(%dma_start3A_504 : memref<4x768xf32, #tpu.memory_space<hbm>>) target_semaphore(%arg18 : memref<!tpu.dma_semaphore, #tpu.memory_space<semaphore_mem>>)
      %dma_start3A_508 = arith.constant 4 : i32
      %dma_start3A_509 = arith.constant 0 : i32
      %dma_start3A_510 = tpu.memref_slice %arg10[%dma_start3A_508, %dma_start3A_509] : memref<16x768xf32, #tpu.memory_space<vmem>> -> memref<4x768xf32, #tpu.memory_space<vmem>>
      %dma_start3A_511 = arith.constant 0 : i32
      %dma_start3A_512 = tpu.memref_slice %arg5[%add3A_487, %dma_start3A_511] : memref<8192x768xf32, #tpu.memory_space<hbm>> -> memref<4x768xf32, #tpu.memory_space<hbm>>
      %dma_start3A_513 = arith.constant 0 : i32
      %dma_start3A_514 = tpu.memref_slice %arg5[%add3A_487, %dma_start3A_513] : memref<8192x768xf32, #tpu.memory_space<hbm>> -> memref<4x768xf32, #tpu.memory_space<hbm>>
      %dma_start3A_515 = arith.constant 4 : i32
      %dma_start3A_516 = arith.constant 0 : i32
      %dma_start3A_517 = tpu.memref_slice %arg10[%dma_start3A_515, %dma_start3A_516] : memref<16x768xf32, #tpu.memory_space<vmem>> -> memref<4x768xf32, #tpu.memory_space<vmem>>
      tpu.enqueue_dma source(%dma_start3A_517 : memref<4x768xf32, #tpu.memory_space<vmem>>) target(%dma_start3A_514 : memref<4x768xf32, #tpu.memory_space<hbm>>) target_semaphore(%arg18 : memref<!tpu.dma_semaphore, #tpu.memory_space<semaphore_mem>>)
      %dma_start3A_518 = arith.constant 8 : i32
      %dma_start3A_519 = arith.constant 0 : i32
      %dma_start3A_520 = tpu.memref_slice %arg10[%dma_start3A_518, %dma_start3A_519] : memref<16x768xf32, #tpu.memory_space<vmem>> -> memref<4x768xf32, #tpu.memory_space<vmem>>
      %dma_start3A_521 = arith.constant 0 : i32
      %dma_start3A_522 = tpu.memref_slice %arg5[%add3A_492, %dma_start3A_521] : memref<8192x768xf32, #tpu.memory_space<hbm>> -> memref<4x768xf32, #tpu.memory_space<hbm>>
      %dma_start3A_523 = arith.constant 0 : i32
      %dma_start3A_524 = tpu.memref_slice %arg5[%add3A_492, %dma_start3A_523] : memref<8192x768xf32, #tpu.memory_space<hbm>> -> memref<4x768xf32, #tpu.memory_space<hbm>>
      %dma_start3A_525 = arith.constant 8 : i32
      %dma_start3A_526 = arith.constant 0 : i32
      %dma_start3A_527 = tpu.memref_slice %arg10[%dma_start3A_525, %dma_start3A_526] : memref<16x768xf32, #tpu.memory_space<vmem>> -> memref<4x768xf32, #tpu.memory_space<vmem>>
      tpu.enqueue_dma source(%dma_start3A_527 : memref<4x768xf32, #tpu.memory_space<vmem>>) target(%dma_start3A_524 : memref<4x768xf32, #tpu.memory_space<hbm>>) target_semaphore(%arg18 : memref<!tpu.dma_semaphore, #tpu.memory_space<semaphore_mem>>)
      %dma_start3A_528 = arith.constant 12 : i32
      %dma_start3A_529 = arith.constant 0 : i32
      %dma_start3A_530 = tpu.memref_slice %arg10[%dma_start3A_528, %dma_start3A_529] : memref<16x768xf32, #tpu.memory_space<vmem>> -> memref<4x768xf32, #tpu.memory_space<vmem>>
      %dma_start3A_531 = arith.constant 0 : i32
      %dma_start3A_532 = tpu.memref_slice %arg5[%add3A_497, %dma_start3A_531] : memref<8192x768xf32, #tpu.memory_space<hbm>> -> memref<4x768xf32, #tpu.memory_space<hbm>>
      %dma_start3A_533 = arith.constant 0 : i32
      %dma_start3A_534 = tpu.memref_slice %arg5[%add3A_497, %dma_start3A_533] : memref<8192x768xf32, #tpu.memory_space<hbm>> -> memref<4x768xf32, #tpu.memory_space<hbm>>
      %dma_start3A_535 = arith.constant 12 : i32
      %dma_start3A_536 = arith.constant 0 : i32
      %dma_start3A_537 = tpu.memref_slice %arg10[%dma_start3A_535, %dma_start3A_536] : memref<16x768xf32, #tpu.memory_space<vmem>> -> memref<4x768xf32, #tpu.memory_space<vmem>>
      tpu.enqueue_dma source(%dma_start3A_537 : memref<4x768xf32, #tpu.memory_space<vmem>>) target(%dma_start3A_534 : memref<4x768xf32, #tpu.memory_space<hbm>>) target_semaphore(%arg18 : memref<!tpu.dma_semaphore, #tpu.memory_space<semaphore_mem>>)
      %lt3A = arith.constant 3 : i32
      %lt3A_538 = arith.cmpi slt, %scan3A_268, %lt3A : i32
      %convert_element_type3A_539 = arith.extui %lt3A_538 : i1 to i32
      %cond3A_540 = arith.constant 0 : i32
      %cond3A_541 = arith.cmpi ne, %convert_element_type3A_539, %cond3A_540 : i32
      scf.if %cond3A_541 {
        %mul3A_628 = arith.constant 4 : i32
        %mul3A_629 = arith.muli %scan3A_268, %mul3A_628 : i32
        %add3A_630 = arith.constant 0 : i32
        %add3A_631 = arith.addi %mul3A_629, %add3A_630 : i32
        %add3A_632 = arith.constant 0 : i32
        %add3A_633 = arith.addi %add3A_632, %mul3A_2 : i32
        %mul3A_634 = arith.constant 4 : i32
        %mul3A_635 = arith.muli %add3A_631, %mul3A_634 : i32
        %add3A_636 = arith.addi %add3A_633, %mul3A_635 : i32
        %add3A_637 = arith.constant 2048 : i32
        %add3A_638 = arith.addi %add3A_637, %mul3A_2 : i32
        %mul3A_639 = arith.constant 4 : i32
        %mul3A_640 = arith.muli %add3A_631, %mul3A_639 : i32
        %add3A_641 = arith.addi %add3A_638, %mul3A_640 : i32
        %add3A_642 = arith.constant 4096 : i32
        %add3A_643 = arith.addi %add3A_642, %mul3A_2 : i32
        %mul3A_644 = arith.constant 4 : i32
        %mul3A_645 = arith.muli %add3A_631, %mul3A_644 : i32
        %add3A_646 = arith.addi %add3A_643, %mul3A_645 : i32
        %add3A_647 = arith.constant 6144 : i32
        %add3A_648 = arith.addi %add3A_647, %mul3A_2 : i32
        %mul3A_649 = arith.constant 4 : i32
        %mul3A_650 = arith.muli %add3A_631, %mul3A_649 : i32
        %add3A_651 = arith.addi %add3A_648, %mul3A_650 : i32
        %dma_wait3A_652 = arith.constant 0 : i32
        %dma_wait3A_653 = arith.constant 0 : i32
        %dma_wait3A_654 = tpu.memref_slice %arg8[%dma_wait3A_652, %dma_wait3A_653] : memref<16x768xf32, #tpu.memory_space<vmem>> -> memref<4x768xf32, #tpu.memory_space<vmem>>
        %dma_wait3A_655 = arith.constant 0 : i32
        %dma_wait3A_656 = tpu.memref_slice %arg5[%add3A_636, %dma_wait3A_655] : memref<8192x768xf32, #tpu.memory_space<hbm>> -> memref<4x768xf32, #tpu.memory_space<hbm>>
        %dma_wait3A_657 = arith.constant 0 : i32
        %dma_wait3A_658 = tpu.memref_slice %arg5[%add3A_636, %dma_wait3A_657] : memref<8192x768xf32, #tpu.memory_space<hbm>> -> memref<4x768xf32, #tpu.memory_space<hbm>>
        %dma_wait3A_659 = arith.constant 0 : i32
        %dma_wait3A_660 = arith.constant 0 : i32
        %dma_wait3A_661 = tpu.memref_slice %arg8[%dma_wait3A_659, %dma_wait3A_660] : memref<16x768xf32, #tpu.memory_space<vmem>> -> memref<4x768xf32, #tpu.memory_space<vmem>>
        tpu.wait_dma2 semaphore(%arg16 : memref<!tpu.dma_semaphore, #tpu.memory_space<semaphore_mem>>) src(%dma_wait3A_661 : memref<4x768xf32, #tpu.memory_space<vmem>>) dst(%dma_wait3A_658 : memref<4x768xf32, #tpu.memory_space<hbm>>)
        %dma_wait3A_662 = arith.constant 4 : i32
        %dma_wait3A_663 = arith.constant 0 : i32
        %dma_wait3A_664 = tpu.memref_slice %arg8[%dma_wait3A_662, %dma_wait3A_663] : memref<16x768xf32, #tpu.memory_space<vmem>> -> memref<4x768xf32, #tpu.memory_space<vmem>>
        %dma_wait3A_665 = arith.constant 0 : i32
        %dma_wait3A_666 = tpu.memref_slice %arg5[%add3A_641, %dma_wait3A_665] : memref<8192x768xf32, #tpu.memory_space<hbm>> -> memref<4x768xf32, #tpu.memory_space<hbm>>
        %dma_wait3A_667 = arith.constant 0 : i32
        %dma_wait3A_668 = tpu.memref_slice %arg5[%add3A_641, %dma_wait3A_667] : memref<8192x768xf32, #tpu.memory_space<hbm>> -> memref<4x768xf32, #tpu.memory_space<hbm>>
        %dma_wait3A_669 = arith.constant 4 : i32
        %dma_wait3A_670 = arith.constant 0 : i32
        %dma_wait3A_671 = tpu.memref_slice %arg8[%dma_wait3A_669, %dma_wait3A_670] : memref<16x768xf32, #tpu.memory_space<vmem>> -> memref<4x768xf32, #tpu.memory_space<vmem>>
        tpu.wait_dma2 semaphore(%arg16 : memref<!tpu.dma_semaphore, #tpu.memory_space<semaphore_mem>>) src(%dma_wait3A_671 : memref<4x768xf32, #tpu.memory_space<vmem>>) dst(%dma_wait3A_668 : memref<4x768xf32, #tpu.memory_space<hbm>>)
        %dma_wait3A_672 = arith.constant 8 : i32
        %dma_wait3A_673 = arith.constant 0 : i32
        %dma_wait3A_674 = tpu.memref_slice %arg8[%dma_wait3A_672, %dma_wait3A_673] : memref<16x768xf32, #tpu.memory_space<vmem>> -> memref<4x768xf32, #tpu.memory_space<vmem>>
        %dma_wait3A_675 = arith.constant 0 : i32
        %dma_wait3A_676 = tpu.memref_slice %arg5[%add3A_646, %dma_wait3A_675] : memref<8192x768xf32, #tpu.memory_space<hbm>> -> memref<4x768xf32, #tpu.memory_space<hbm>>
        %dma_wait3A_677 = arith.constant 0 : i32
        %dma_wait3A_678 = tpu.memref_slice %arg5[%add3A_646, %dma_wait3A_677] : memref<8192x768xf32, #tpu.memory_space<hbm>> -> memref<4x768xf32, #tpu.memory_space<hbm>>
        %dma_wait3A_679 = arith.constant 8 : i32
        %dma_wait3A_680 = arith.constant 0 : i32
        %dma_wait3A_681 = tpu.memref_slice %arg8[%dma_wait3A_679, %dma_wait3A_680] : memref<16x768xf32, #tpu.memory_space<vmem>> -> memref<4x768xf32, #tpu.memory_space<vmem>>
        tpu.wait_dma2 semaphore(%arg16 : memref<!tpu.dma_semaphore, #tpu.memory_space<semaphore_mem>>) src(%dma_wait3A_681 : memref<4x768xf32, #tpu.memory_space<vmem>>) dst(%dma_wait3A_678 : memref<4x768xf32, #tpu.memory_space<hbm>>)
        %dma_wait3A_682 = arith.constant 12 : i32
        %dma_wait3A_683 = arith.constant 0 : i32
        %dma_wait3A_684 = tpu.memref_slice %arg8[%dma_wait3A_682, %dma_wait3A_683] : memref<16x768xf32, #tpu.memory_space<vmem>> -> memref<4x768xf32, #tpu.memory_space<vmem>>
        %dma_wait3A_685 = arith.constant 0 : i32
        %dma_wait3A_686 = tpu.memref_slice %arg5[%add3A_651, %dma_wait3A_685] : memref<8192x768xf32, #tpu.memory_space<hbm>> -> memref<4x768xf32, #tpu.memory_space<hbm>>
        %dma_wait3A_687 = arith.constant 0 : i32
        %dma_wait3A_688 = tpu.memref_slice %arg5[%add3A_651, %dma_wait3A_687] : memref<8192x768xf32, #tpu.memory_space<hbm>> -> memref<4x768xf32, #tpu.memory_space<hbm>>
        %dma_wait3A_689 = arith.constant 12 : i32
        %dma_wait3A_690 = arith.constant 0 : i32
        %dma_wait3A_691 = tpu.memref_slice %arg8[%dma_wait3A_689, %dma_wait3A_690] : memref<16x768xf32, #tpu.memory_space<vmem>> -> memref<4x768xf32, #tpu.memory_space<vmem>>
        tpu.wait_dma2 semaphore(%arg16 : memref<!tpu.dma_semaphore, #tpu.memory_space<semaphore_mem>>) src(%dma_wait3A_691 : memref<4x768xf32, #tpu.memory_space<vmem>>) dst(%dma_wait3A_688 : memref<4x768xf32, #tpu.memory_space<hbm>>)
        %add3A_692 = arith.constant 1 : i32
        %add3A_693 = arith.addi %scan3A_268, %add3A_692 : i32
        %mul3A_694 = arith.constant 4 : i32
        %mul3A_695 = arith.muli %add3A_693, %mul3A_694 : i32
        %add3A_696 = arith.constant 0 : i32
        %add3A_697 = arith.addi %mul3A_695, %add3A_696 : i32
        %dma_start3A_698 = arith.constant 0 : i32
        %dma_start3A_699 = tpu.memref_slice %arg6[%add3A_697, %dma_start3A_698] : memref<16x16xi32, #tpu.memory_space<vmem>> -> memref<1x16xi32, #tpu.memory_space<vmem>>
        %dma_start3A_700 = tpu.memref_squeeze %dma_start3A_699 : memref<1x16xi32, #tpu.memory_space<vmem>> -> memref<16xi32, #tpu.memory_space<vmem>>
        %dma_start3A_701 = arith.constant 0 : i32
        %dma_start3A_702 = arith.constant 0 : i32
        %dma_start3A_703 = tpu.memref_slice %arg4[%dma_start3A_701, %dma_start3A_702] : memref<100000x768xf32, #tpu.memory_space<hbm>> -> memref<100000x768xf32, #tpu.memory_space<hbm>>
        tpu.enqueue_indirect_dma source(%dma_start3A_703 : memref<100000x768xf32, #tpu.memory_space<hbm>>) target(%arg8 : memref<16x768xf32, #tpu.memory_space<vmem>>) offsets(%dma_start3A_700 : memref<16xi32, #tpu.memory_space<vmem>>) semaphore(%arg12 : memref<!tpu.dma_semaphore, #tpu.memory_space<semaphore_mem>>)
      } else {
      }
      %mul3A_542 = arith.constant 4 : i32
      %mul3A_543 = arith.muli %scan3A_268, %mul3A_542 : i32
      %add3A_544 = arith.constant 3 : i32
      %add3A_545 = arith.addi %mul3A_543, %add3A_544 : i32
      %mul3A_546 = arith.constant 4 : i32
      %mul3A_547 = arith.muli %scan3A_268, %mul3A_546 : i32
      %add3A_548 = arith.constant 3 : i32
      %add3A_549 = arith.addi %mul3A_547, %add3A_548 : i32
      %dma_wait3A_550 = arith.constant 0 : i32
      %dma_wait3A_551 = tpu.memref_slice %arg6[%add3A_549, %dma_wait3A_550] : memref<16x16xi32, #tpu.memory_space<vmem>> -> memref<1x16xi32, #tpu.memory_space<vmem>>
      %dma_wait3A_552 = tpu.memref_squeeze %dma_wait3A_551 : memref<1x16xi32, #tpu.memory_space<vmem>> -> memref<16xi32, #tpu.memory_space<vmem>>
      %dma_wait3A_553 = arith.constant 0 : i32
      %dma_wait3A_554 = arith.constant 0 : i32
      %dma_wait3A_555 = tpu.memref_slice %arg4[%dma_wait3A_553, %dma_wait3A_554] : memref<100000x768xf32, #tpu.memory_space<hbm>> -> memref<100000x768xf32, #tpu.memory_space<hbm>>
      tpu.wait_indirect_dma semaphore(%arg15 : memref<!tpu.dma_semaphore, #tpu.memory_space<semaphore_mem>>) src(%dma_wait3A_555 : memref<100000x768xf32, #tpu.memory_space<hbm>>) dst(%arg11 : memref<16x768xf32, #tpu.memory_space<vmem>>)
      %parallel_loop3A_556 = arith.constant 0 : i32
      %parallel_loop3A_557 = arith.constant 4 : i32
      %parallel_loop3A_558 = arith.constant 1 : i32
      scf.for %parallel_loop3A_628 = %parallel_loop3A_556 to %parallel_loop3A_557 step %parallel_loop3A_558  : i32 {
        %parallel_loop3A_629 = arith.constant 0 : i32
        %parallel_loop3A_630 = arith.constant 768 : i32
        %parallel_loop3A_631 = arith.constant 16 : i32
        scf.for %parallel_loop3A_632 = %parallel_loop3A_629 to %parallel_loop3A_630 step %parallel_loop3A_631  : i32 {
          %parallel_loop3A_633 = arith.constant 4 : i32
          %parallel_loop3A_634 = arith.muli %add3A_545, %parallel_loop3A_633 : i32
          %parallel_loop3A_635 = arith.addi %parallel_loop3A_634, %parallel_loop3A_628 : i32
          %parallel_loop3A_636 = arith.index_cast %parallel_loop3A_635 : i32 to index
          %parallel_loop3A_637 = arith.index_cast %parallel_loop3A_632 : i32 to index
          %parallel_loop3A_638 = tpu.vector_load %arg7[%parallel_loop3A_636, %parallel_loop3A_637] {strides = array<i32>} : memref<64x768xf32, #tpu.memory_space<vmem>>, vector<1x16xf32>,
          %parallel_loop3A_639 = vector.shape_cast %parallel_loop3A_638 : vector<1x16xf32> to vector<16xf32>
          %parallel_loop3A_640 = arith.constant 0 : i32
          %parallel_loop3A_641 = arith.addi %parallel_loop3A_640, %parallel_loop3A_628 : i32
          %parallel_loop3A_642 = arith.index_cast %parallel_loop3A_641 : i32 to index
          %parallel_loop3A_643 = arith.index_cast %parallel_loop3A_632 : i32 to index
          %parallel_loop3A_644 = tpu.vector_load %arg11[%parallel_loop3A_642, %parallel_loop3A_643] {strides = array<i32>} : memref<16x768xf32, #tpu.memory_space<vmem>>, vector<1x16xf32>,
          %parallel_loop3A_645 = vector.shape_cast %parallel_loop3A_644 : vector<1x16xf32> to vector<16xf32>
          %parallel_loop3A_646 = vector.shape_cast %parallel_loop3A_639 : vector<16xf32> to vector<1x16xf32>
          tpu.vector_store %arg11[%parallel_loop3A_642, %parallel_loop3A_643], %parallel_loop3A_646 {add = true, strides = array<i32>} : memref<16x768xf32, #tpu.memory_space<vmem>>, vector<1x16xf32>,
          %parallel_loop3A_647 = arith.constant 4 : i32
          %parallel_loop3A_648 = arith.addi %parallel_loop3A_647, %parallel_loop3A_628 : i32
          %parallel_loop3A_649 = arith.index_cast %parallel_loop3A_648 : i32 to index
          %parallel_loop3A_650 = arith.index_cast %parallel_loop3A_632 : i32 to index
          %parallel_loop3A_651 = tpu.vector_load %arg11[%parallel_loop3A_649, %parallel_loop3A_650] {strides = array<i32>} : memref<16x768xf32, #tpu.memory_space<vmem>>, vector<1x16xf32>,
          %parallel_loop3A_652 = vector.shape_cast %parallel_loop3A_651 : vector<1x16xf32> to vector<16xf32>
          %parallel_loop3A_653 = vector.shape_cast %parallel_loop3A_639 : vector<16xf32> to vector<1x16xf32>
          tpu.vector_store %arg11[%parallel_loop3A_649, %parallel_loop3A_650], %parallel_loop3A_653 {add = true, strides = array<i32>} : memref<16x768xf32, #tpu.memory_space<vmem>>, vector<1x16xf32>,
          %parallel_loop3A_654 = arith.constant 8 : i32
          %parallel_loop3A_655 = arith.addi %parallel_loop3A_654, %parallel_loop3A_628 : i32
          %parallel_loop3A_656 = arith.index_cast %parallel_loop3A_655 : i32 to index
          %parallel_loop3A_657 = arith.index_cast %parallel_loop3A_632 : i32 to index
          %parallel_loop3A_658 = tpu.vector_load %arg11[%parallel_loop3A_656, %parallel_loop3A_657] {strides = array<i32>} : memref<16x768xf32, #tpu.memory_space<vmem>>, vector<1x16xf32>,
          %parallel_loop3A_659 = vector.shape_cast %parallel_loop3A_658 : vector<1x16xf32> to vector<16xf32>
          %parallel_loop3A_660 = vector.shape_cast %parallel_loop3A_639 : vector<16xf32> to vector<1x16xf32>
          tpu.vector_store %arg11[%parallel_loop3A_656, %parallel_loop3A_657], %parallel_loop3A_660 {add = true, strides = array<i32>} : memref<16x768xf32, #tpu.memory_space<vmem>>, vector<1x16xf32>,
          %parallel_loop3A_661 = arith.constant 12 : i32
          %parallel_loop3A_662 = arith.addi %parallel_loop3A_661, %parallel_loop3A_628 : i32
          %parallel_loop3A_663 = arith.index_cast %parallel_loop3A_662 : i32 to index
          %parallel_loop3A_664 = arith.index_cast %parallel_loop3A_632 : i32 to index
          %parallel_loop3A_665 = tpu.vector_load %arg11[%parallel_loop3A_663, %parallel_loop3A_664] {strides = array<i32>} : memref<16x768xf32, #tpu.memory_space<vmem>>, vector<1x16xf32>,
          %parallel_loop3A_666 = vector.shape_cast %parallel_loop3A_665 : vector<1x16xf32> to vector<16xf32>
          %parallel_loop3A_667 = vector.shape_cast %parallel_loop3A_639 : vector<16xf32> to vector<1x16xf32>
          tpu.vector_store %arg11[%parallel_loop3A_663, %parallel_loop3A_664], %parallel_loop3A_667 {add = true, strides = array<i32>} : memref<16x768xf32, #tpu.memory_space<vmem>>, vector<1x16xf32>,
        } {sc.loop_unroll_factor = 4 : i64, sc.parallel_access}
      } {sc.loop_unroll_factor = 1 : i64, sc.parallel_access}
      %mul3A_559 = arith.constant 4 : i32
      %mul3A_560 = arith.muli %scan3A_268, %mul3A_559 : i32
      %add3A_561 = arith.constant 3 : i32
      %add3A_562 = arith.addi %mul3A_560, %add3A_561 : i32
      %add3A_563 = arith.constant 0 : i32
      %add3A_564 = arith.addi %add3A_563, %mul3A_2 : i32
      %mul3A_565 = arith.constant 4 : i32
      %mul3A_566 = arith.muli %add3A_562, %mul3A_565 : i32
      %add3A_567 = arith.addi %add3A_564, %mul3A_566 : i32
      %add3A_568 = arith.constant 2048 : i32
      %add3A_569 = arith.addi %add3A_568, %mul3A_2 : i32
      %mul3A_570 = arith.constant 4 : i32
      %mul3A_571 = arith.muli %add3A_562, %mul3A_570 : i32
      %add3A_572 = arith.addi %add3A_569, %mul3A_571 : i32
      %add3A_573 = arith.constant 4096 : i32
      %add3A_574 = arith.addi %add3A_573, %mul3A_2 : i32
      %mul3A_575 = arith.constant 4 : i32
      %mul3A_576 = arith.muli %add3A_562, %mul3A_575 : i32
      %add3A_577 = arith.addi %add3A_574, %mul3A_576 : i32
      %add3A_578 = arith.constant 6144 : i32
      %add3A_579 = arith.addi %add3A_578, %mul3A_2 : i32
      %mul3A_580 = arith.constant 4 : i32
      %mul3A_581 = arith.muli %add3A_562, %mul3A_580 : i32
      %add3A_582 = arith.addi %add3A_579, %mul3A_581 : i32
      %dma_start3A_583 = arith.constant 0 : i32
      %dma_start3A_584 = arith.constant 0 : i32
      %dma_start3A_585 = tpu.memref_slice %arg11[%dma_start3A_583, %dma_start3A_584] : memref<16x768xf32, #tpu.memory_space<vmem>> -> memref<4x768xf32, #tpu.memory_space<vmem>>
      %dma_start3A_586 = arith.constant 0 : i32
      %dma_start3A_587 = tpu.memref_slice %arg5[%add3A_567, %dma_start3A_586] : memref<8192x768xf32, #tpu.memory_space<hbm>> -> memref<4x768xf32, #tpu.memory_space<hbm>>
      %dma_start3A_588 = arith.constant 0 : i32
      %dma_start3A_589 = tpu.memref_slice %arg5[%add3A_567, %dma_start3A_588] : memref<8192x768xf32, #tpu.memory_space<hbm>> -> memref<4x768xf32, #tpu.memory_space<hbm>>
      %dma_start3A_590 = arith.constant 0 : i32
      %dma_start3A_591 = arith.constant 0 : i32
      %dma_start3A_592 = tpu.memref_slice %arg11[%dma_start3A_590, %dma_start3A_591] : memref<16x768xf32, #tpu.memory_space<vmem>> -> memref<4x768xf32, #tpu.memory_space<vmem>>
      tpu.enqueue_dma source(%dma_start3A_592 : memref<4x768xf32, #tpu.memory_space<vmem>>) target(%dma_start3A_589 : memref<4x768xf32, #tpu.memory_space<hbm>>) target_semaphore(%arg19 : memref<!tpu.dma_semaphore, #tpu.memory_space<semaphore_mem>>)
      %dma_start3A_593 = arith.constant 4 : i32
      %dma_start3A_594 = arith.constant 0 : i32
      %dma_start3A_595 = tpu.memref_slice %arg11[%dma_start3A_593, %dma_start3A_594] : memref<16x768xf32, #tpu.memory_space<vmem>> -> memref<4x768xf32, #tpu.memory_space<vmem>>
      %dma_start3A_596 = arith.constant 0 : i32
      %dma_start3A_597 = tpu.memref_slice %arg5[%add3A_572, %dma_start3A_596] : memref<8192x768xf32, #tpu.memory_space<hbm>> -> memref<4x768xf32, #tpu.memory_space<hbm>>
      %dma_start3A_598 = arith.constant 0 : i32
      %dma_start3A_599 = tpu.memref_slice %arg5[%add3A_572, %dma_start3A_598] : memref<8192x768xf32, #tpu.memory_space<hbm>> -> memref<4x768xf32, #tpu.memory_space<hbm>>
      %dma_start3A_600 = arith.constant 4 : i32
      %dma_start3A_601 = arith.constant 0 : i32
      %dma_start3A_602 = tpu.memref_slice %arg11[%dma_start3A_600, %dma_start3A_601] : memref<16x768xf32, #tpu.memory_space<vmem>> -> memref<4x768xf32, #tpu.memory_space<vmem>>
      tpu.enqueue_dma source(%dma_start3A_602 : memref<4x768xf32, #tpu.memory_space<vmem>>) target(%dma_start3A_599 : memref<4x768xf32, #tpu.memory_space<hbm>>) target_semaphore(%arg19 : memref<!tpu.dma_semaphore, #tpu.memory_space<semaphore_mem>>)
      %dma_start3A_603 = arith.constant 8 : i32
      %dma_start3A_604 = arith.constant 0 : i32
      %dma_start3A_605 = tpu.memref_slice %arg11[%dma_start3A_603, %dma_start3A_604] : memref<16x768xf32, #tpu.memory_space<vmem>> -> memref<4x768xf32, #tpu.memory_space<vmem>>
      %dma_start3A_606 = arith.constant 0 : i32
      %dma_start3A_607 = tpu.memref_slice %arg5[%add3A_577, %dma_start3A_606] : memref<8192x768xf32, #tpu.memory_space<hbm>> -> memref<4x768xf32, #tpu.memory_space<hbm>>
      %dma_start3A_608 = arith.constant 0 : i32
      %dma_start3A_609 = tpu.memref_slice %arg5[%add3A_577, %dma_start3A_608] : memref<8192x768xf32, #tpu.memory_space<hbm>> -> memref<4x768xf32, #tpu.memory_space<hbm>>
      %dma_start3A_610 = arith.constant 8 : i32
      %dma_start3A_611 = arith.constant 0 : i32
      %dma_start3A_612 = tpu.memref_slice %arg11[%dma_start3A_610, %dma_start3A_611] : memref<16x768xf32, #tpu.memory_space<vmem>> -> memref<4x768xf32, #tpu.memory_space<vmem>>
      tpu.enqueue_dma source(%dma_start3A_612 : memref<4x768xf32, #tpu.memory_space<vmem>>) target(%dma_start3A_609 : memref<4x768xf32, #tpu.memory_space<hbm>>) target_semaphore(%arg19 : memref<!tpu.dma_semaphore, #tpu.memory_space<semaphore_mem>>)
      %dma_start3A_613 = arith.constant 12 : i32
      %dma_start3A_614 = arith.constant 0 : i32
      %dma_start3A_615 = tpu.memref_slice %arg11[%dma_start3A_613, %dma_start3A_614] : memref<16x768xf32, #tpu.memory_space<vmem>> -> memref<4x768xf32, #tpu.memory_space<vmem>>
      %dma_start3A_616 = arith.constant 0 : i32
      %dma_start3A_617 = tpu.memref_slice %arg5[%add3A_582, %dma_start3A_616] : memref<8192x768xf32, #tpu.memory_space<hbm>> -> memref<4x768xf32, #tpu.memory_space<hbm>>
      %dma_start3A_618 = arith.constant 0 : i32
      %dma_start3A_619 = tpu.memref_slice %arg5[%add3A_582, %dma_start3A_618] : memref<8192x768xf32, #tpu.memory_space<hbm>> -> memref<4x768xf32, #tpu.memory_space<hbm>>
      %dma_start3A_620 = arith.constant 12 : i32
      %dma_start3A_621 = arith.constant 0 : i32
      %dma_start3A_622 = tpu.memref_slice %arg11[%dma_start3A_620, %dma_start3A_621] : memref<16x768xf32, #tpu.memory_space<vmem>> -> memref<4x768xf32, #tpu.memory_space<vmem>>
      tpu.enqueue_dma source(%dma_start3A_622 : memref<4x768xf32, #tpu.memory_space<vmem>>) target(%dma_start3A_619 : memref<4x768xf32, #tpu.memory_space<hbm>>) target_semaphore(%arg19 : memref<!tpu.dma_semaphore, #tpu.memory_space<semaphore_mem>>)
      %lt3A_623 = arith.constant 3 : i32
      %lt3A_624 = arith.cmpi slt, %scan3A_268, %lt3A_623 : i32
      %convert_element_type3A_625 = arith.extui %lt3A_624 : i1 to i32
      %cond3A_626 = arith.constant 0 : i32
      %cond3A_627 = arith.cmpi ne, %convert_element_type3A_625, %cond3A_626 : i32
      scf.if %cond3A_627 {
        %mul3A_628 = arith.constant 4 : i32
        %mul3A_629 = arith.muli %scan3A_268, %mul3A_628 : i32
        %add3A_630 = arith.constant 1 : i32
        %add3A_631 = arith.addi %mul3A_629, %add3A_630 : i32
        %add3A_632 = arith.constant 0 : i32
        %add3A_633 = arith.addi %add3A_632, %mul3A_2 : i32
        %mul3A_634 = arith.constant 4 : i32
        %mul3A_635 = arith.muli %add3A_631, %mul3A_634 : i32
        %add3A_636 = arith.addi %add3A_633, %mul3A_635 : i32
        %add3A_637 = arith.constant 2048 : i32
        %add3A_638 = arith.addi %add3A_637, %mul3A_2 : i32
        %mul3A_639 = arith.constant 4 : i32
        %mul3A_640 = arith.muli %add3A_631, %mul3A_639 : i32
        %add3A_641 = arith.addi %add3A_638, %mul3A_640 : i32
        %add3A_642 = arith.constant 4096 : i32
        %add3A_643 = arith.addi %add3A_642, %mul3A_2 : i32
        %mul3A_644 = arith.constant 4 : i32
        %mul3A_645 = arith.muli %add3A_631, %mul3A_644 : i32
        %add3A_646 = arith.addi %add3A_643, %mul3A_645 : i32
        %add3A_647 = arith.constant 6144 : i32
        %add3A_648 = arith.addi %add3A_647, %mul3A_2 : i32
        %mul3A_649 = arith.constant 4 : i32
        %mul3A_650 = arith.muli %add3A_631, %mul3A_649 : i32
        %add3A_651 = arith.addi %add3A_648, %mul3A_650 : i32
        %dma_wait3A_652 = arith.constant 0 : i32
        %dma_wait3A_653 = arith.constant 0 : i32
        %dma_wait3A_654 = tpu.memref_slice %arg9[%dma_wait3A_652, %dma_wait3A_653] : memref<16x768xf32, #tpu.memory_space<vmem>> -> memref<4x768xf32, #tpu.memory_space<vmem>>
        %dma_wait3A_655 = arith.constant 0 : i32
        %dma_wait3A_656 = tpu.memref_slice %arg5[%add3A_636, %dma_wait3A_655] : memref<8192x768xf32, #tpu.memory_space<hbm>> -> memref<4x768xf32, #tpu.memory_space<hbm>>
        %dma_wait3A_657 = arith.constant 0 : i32
        %dma_wait3A_658 = tpu.memref_slice %arg5[%add3A_636, %dma_wait3A_657] : memref<8192x768xf32, #tpu.memory_space<hbm>> -> memref<4x768xf32, #tpu.memory_space<hbm>>
        %dma_wait3A_659 = arith.constant 0 : i32
        %dma_wait3A_660 = arith.constant 0 : i32
        %dma_wait3A_661 = tpu.memref_slice %arg9[%dma_wait3A_659, %dma_wait3A_660] : memref<16x768xf32, #tpu.memory_space<vmem>> -> memref<4x768xf32, #tpu.memory_space<vmem>>
        tpu.wait_dma2 semaphore(%arg17 : memref<!tpu.dma_semaphore, #tpu.memory_space<semaphore_mem>>) src(%dma_wait3A_661 : memref<4x768xf32, #tpu.memory_space<vmem>>) dst(%dma_wait3A_658 : memref<4x768xf32, #tpu.memory_space<hbm>>)
        %dma_wait3A_662 = arith.constant 4 : i32
        %dma_wait3A_663 = arith.constant 0 : i32
        %dma_wait3A_664 = tpu.memref_slice %arg9[%dma_wait3A_662, %dma_wait3A_663] : memref<16x768xf32, #tpu.memory_space<vmem>> -> memref<4x768xf32, #tpu.memory_space<vmem>>
        %dma_wait3A_665 = arith.constant 0 : i32
        %dma_wait3A_666 = tpu.memref_slice %arg5[%add3A_641, %dma_wait3A_665] : memref<8192x768xf32, #tpu.memory_space<hbm>> -> memref<4x768xf32, #tpu.memory_space<hbm>>
        %dma_wait3A_667 = arith.constant 0 : i32
        %dma_wait3A_668 = tpu.memref_slice %arg5[%add3A_641, %dma_wait3A_667] : memref<8192x768xf32, #tpu.memory_space<hbm>> -> memref<4x768xf32, #tpu.memory_space<hbm>>
        %dma_wait3A_669 = arith.constant 4 : i32
        %dma_wait3A_670 = arith.constant 0 : i32
        %dma_wait3A_671 = tpu.memref_slice %arg9[%dma_wait3A_669, %dma_wait3A_670] : memref<16x768xf32, #tpu.memory_space<vmem>> -> memref<4x768xf32, #tpu.memory_space<vmem>>
        tpu.wait_dma2 semaphore(%arg17 : memref<!tpu.dma_semaphore, #tpu.memory_space<semaphore_mem>>) src(%dma_wait3A_671 : memref<4x768xf32, #tpu.memory_space<vmem>>) dst(%dma_wait3A_668 : memref<4x768xf32, #tpu.memory_space<hbm>>)
        %dma_wait3A_672 = arith.constant 8 : i32
        %dma_wait3A_673 = arith.constant 0 : i32
        %dma_wait3A_674 = tpu.memref_slice %arg9[%dma_wait3A_672, %dma_wait3A_673] : memref<16x768xf32, #tpu.memory_space<vmem>> -> memref<4x768xf32, #tpu.memory_space<vmem>>
        %dma_wait3A_675 = arith.constant 0 : i32
        %dma_wait3A_676 = tpu.memref_slice %arg5[%add3A_646, %dma_wait3A_675] : memref<8192x768xf32, #tpu.memory_space<hbm>> -> memref<4x768xf32, #tpu.memory_space<hbm>>
        %dma_wait3A_677 = arith.constant 0 : i32
        %dma_wait3A_678 = tpu.memref_slice %arg5[%add3A_646, %dma_wait3A_677] : memref<8192x768xf32, #tpu.memory_space<hbm>> -> memref<4x768xf32, #tpu.memory_space<hbm>>
        %dma_wait3A_679 = arith.constant 8 : i32
        %dma_wait3A_680 = arith.constant 0 : i32
        %dma_wait3A_681 = tpu.memref_slice %arg9[%dma_wait3A_679, %dma_wait3A_680] : memref<16x768xf32, #tpu.memory_space<vmem>> -> memref<4x768xf32, #tpu.memory_space<vmem>>
        tpu.wait_dma2 semaphore(%arg17 : memref<!tpu.dma_semaphore, #tpu.memory_space<semaphore_mem>>) src(%dma_wait3A_681 : memref<4x768xf32, #tpu.memory_space<vmem>>) dst(%dma_wait3A_678 : memref<4x768xf32, #tpu.memory_space<hbm>>)
        %dma_wait3A_682 = arith.constant 12 : i32
        %dma_wait3A_683 = arith.constant 0 : i32
        %dma_wait3A_684 = tpu.memref_slice %arg9[%dma_wait3A_682, %dma_wait3A_683] : memref<16x768xf32, #tpu.memory_space<vmem>> -> memref<4x768xf32, #tpu.memory_space<vmem>>
        %dma_wait3A_685 = arith.constant 0 : i32
        %dma_wait3A_686 = tpu.memref_slice %arg5[%add3A_651, %dma_wait3A_685] : memref<8192x768xf32, #tpu.memory_space<hbm>> -> memref<4x768xf32, #tpu.memory_space<hbm>>
        %dma_wait3A_687 = arith.constant 0 : i32
        %dma_wait3A_688 = tpu.memref_slice %arg5[%add3A_651, %dma_wait3A_687] : memref<8192x768xf32, #tpu.memory_space<hbm>> -> memref<4x768xf32, #tpu.memory_space<hbm>>
        %dma_wait3A_689 = arith.constant 12 : i32
        %dma_wait3A_690 = arith.constant 0 : i32
        %dma_wait3A_691 = tpu.memref_slice %arg9[%dma_wait3A_689, %dma_wait3A_690] : memref<16x768xf32, #tpu.memory_space<vmem>> -> memref<4x768xf32, #tpu.memory_space<vmem>>
        tpu.wait_dma2 semaphore(%arg17 : memref<!tpu.dma_semaphore, #tpu.memory_space<semaphore_mem>>) src(%dma_wait3A_691 : memref<4x768xf32, #tpu.memory_space<vmem>>) dst(%dma_wait3A_688 : memref<4x768xf32, #tpu.memory_space<hbm>>)
        %add3A_692 = arith.constant 1 : i32
        %add3A_693 = arith.addi %scan3A_268, %add3A_692 : i32
        %mul3A_694 = arith.constant 4 : i32
        %mul3A_695 = arith.muli %add3A_693, %mul3A_694 : i32
        %add3A_696 = arith.constant 1 : i32
        %add3A_697 = arith.addi %mul3A_695, %add3A_696 : i32
        %dma_start3A_698 = arith.constant 0 : i32
        %dma_start3A_699 = tpu.memref_slice %arg6[%add3A_697, %dma_start3A_698] : memref<16x16xi32, #tpu.memory_space<vmem>> -> memref<1x16xi32, #tpu.memory_space<vmem>>
        %dma_start3A_700 = tpu.memref_squeeze %dma_start3A_699 : memref<1x16xi32, #tpu.memory_space<vmem>> -> memref<16xi32, #tpu.memory_space<vmem>>
        %dma_start3A_701 = arith.constant 0 : i32
        %dma_start3A_702 = arith.constant 0 : i32
        %dma_start3A_703 = tpu.memref_slice %arg4[%dma_start3A_701, %dma_start3A_702] : memref<100000x768xf32, #tpu.memory_space<hbm>> -> memref<100000x768xf32, #tpu.memory_space<hbm>>
        tpu.enqueue_indirect_dma source(%dma_start3A_703 : memref<100000x768xf32, #tpu.memory_space<hbm>>) target(%arg9 : memref<16x768xf32, #tpu.memory_space<vmem>>) offsets(%dma_start3A_700 : memref<16xi32, #tpu.memory_space<vmem>>) semaphore(%arg13 : memref<!tpu.dma_semaphore, #tpu.memory_space<semaphore_mem>>)
      } else {
      }
    }
    %scan3A_43 = arith.constant 4 : i32
    %add3A_44 = arith.constant 0 : i32
    %add3A_45 = arith.addi %add3A_44, %mul3A_2 : i32
    %add3A_46 = arith.constant 48 : i32
    %add3A_47 = arith.addi %add3A_45, %add3A_46 : i32
    %add3A_48 = arith.constant 2048 : i32
    %add3A_49 = arith.addi %add3A_48, %mul3A_2 : i32
    %add3A_50 = arith.constant 48 : i32
    %add3A_51 = arith.addi %add3A_49, %add3A_50 : i32
    %add3A_52 = arith.constant 4096 : i32
    %add3A_53 = arith.addi %add3A_52, %mul3A_2 : i32
    %add3A_54 = arith.constant 48 : i32
    %add3A_55 = arith.addi %add3A_53, %add3A_54 : i32
    %add3A_56 = arith.constant 6144 : i32
    %add3A_57 = arith.addi %add3A_56, %mul3A_2 : i32
    %add3A_58 = arith.constant 48 : i32
    %add3A_59 = arith.addi %add3A_57, %add3A_58 : i32
    %dma_wait3A_60 = arith.constant 0 : i32
    %dma_wait3A_61 = arith.constant 0 : i32
    %dma_wait3A_62 = tpu.memref_slice %arg8[%dma_wait3A_60, %dma_wait3A_61] : memref<16x768xf32, #tpu.memory_space<vmem>> -> memref<4x768xf32, #tpu.memory_space<vmem>>
    %dma_wait3A_63 = arith.constant 0 : i32
    %dma_wait3A_64 = tpu.memref_slice %arg5[%add3A_47, %dma_wait3A_63] : memref<8192x768xf32, #tpu.memory_space<hbm>> -> memref<4x768xf32, #tpu.memory_space<hbm>>
    %dma_wait3A_65 = arith.constant 0 : i32
    %dma_wait3A_66 = tpu.memref_slice %arg5[%add3A_47, %dma_wait3A_65] : memref<8192x768xf32, #tpu.memory_space<hbm>> -> memref<4x768xf32, #tpu.memory_space<hbm>>
    %dma_wait3A_67 = arith.constant 0 : i32
    %dma_wait3A_68 = arith.constant 0 : i32
    %dma_wait3A_69 = tpu.memref_slice %arg8[%dma_wait3A_67, %dma_wait3A_68] : memref<16x768xf32, #tpu.memory_space<vmem>> -> memref<4x768xf32, #tpu.memory_space<vmem>>
    tpu.wait_dma2 semaphore(%arg16 : memref<!tpu.dma_semaphore, #tpu.memory_space<semaphore_mem>>) src(%dma_wait3A_69 : memref<4x768xf32, #tpu.memory_space<vmem>>) dst(%dma_wait3A_66 : memref<4x768xf32, #tpu.memory_space<hbm>>)
    %dma_wait3A_70 = arith.constant 4 : i32
    %dma_wait3A_71 = arith.constant 0 : i32
    %dma_wait3A_72 = tpu.memref_slice %arg8[%dma_wait3A_70, %dma_wait3A_71] : memref<16x768xf32, #tpu.memory_space<vmem>> -> memref<4x768xf32, #tpu.memory_space<vmem>>
    %dma_wait3A_73 = arith.constant 0 : i32
    %dma_wait3A_74 = tpu.memref_slice %arg5[%add3A_51, %dma_wait3A_73] : memref<8192x768xf32, #tpu.memory_space<hbm>> -> memref<4x768xf32, #tpu.memory_space<hbm>>
    %dma_wait3A_75 = arith.constant 0 : i32
    %dma_wait3A_76 = tpu.memref_slice %arg5[%add3A_51, %dma_wait3A_75] : memref<8192x768xf32, #tpu.memory_space<hbm>> -> memref<4x768xf32, #tpu.memory_space<hbm>>
    %dma_wait3A_77 = arith.constant 4 : i32
    %dma_wait3A_78 = arith.constant 0 : i32
    %dma_wait3A_79 = tpu.memref_slice %arg8[%dma_wait3A_77, %dma_wait3A_78] : memref<16x768xf32, #tpu.memory_space<vmem>> -> memref<4x768xf32, #tpu.memory_space<vmem>>
    tpu.wait_dma2 semaphore(%arg16 : memref<!tpu.dma_semaphore, #tpu.memory_space<semaphore_mem>>) src(%dma_wait3A_79 : memref<4x768xf32, #tpu.memory_space<vmem>>) dst(%dma_wait3A_76 : memref<4x768xf32, #tpu.memory_space<hbm>>)
    %dma_wait3A_80 = arith.constant 8 : i32
    %dma_wait3A_81 = arith.constant 0 : i32
    %dma_wait3A_82 = tpu.memref_slice %arg8[%dma_wait3A_80, %dma_wait3A_81] : memref<16x768xf32, #tpu.memory_space<vmem>> -> memref<4x768xf32, #tpu.memory_space<vmem>>
    %dma_wait3A_83 = arith.constant 0 : i32
    %dma_wait3A_84 = tpu.memref_slice %arg5[%add3A_55, %dma_wait3A_83] : memref<8192x768xf32, #tpu.memory_space<hbm>> -> memref<4x768xf32, #tpu.memory_space<hbm>>
    %dma_wait3A_85 = arith.constant 0 : i32
    %dma_wait3A_86 = tpu.memref_slice %arg5[%add3A_55, %dma_wait3A_85] : memref<8192x768xf32, #tpu.memory_space<hbm>> -> memref<4x768xf32, #tpu.memory_space<hbm>>
    %dma_wait3A_87 = arith.constant 8 : i32
    %dma_wait3A_88 = arith.constant 0 : i32
    %dma_wait3A_89 = tpu.memref_slice %arg8[%dma_wait3A_87, %dma_wait3A_88] : memref<16x768xf32, #tpu.memory_space<vmem>> -> memref<4x768xf32, #tpu.memory_space<vmem>>
    tpu.wait_dma2 semaphore(%arg16 : memref<!tpu.dma_semaphore, #tpu.memory_space<semaphore_mem>>) src(%dma_wait3A_89 : memref<4x768xf32, #tpu.memory_space<vmem>>) dst(%dma_wait3A_86 : memref<4x768xf32, #tpu.memory_space<hbm>>)
    %dma_wait3A_90 = arith.constant 12 : i32
    %dma_wait3A_91 = arith.constant 0 : i32
    %dma_wait3A_92 = tpu.memref_slice %arg8[%dma_wait3A_90, %dma_wait3A_91] : memref<16x768xf32, #tpu.memory_space<vmem>> -> memref<4x768xf32, #tpu.memory_space<vmem>>
    %dma_wait3A_93 = arith.constant 0 : i32
    %dma_wait3A_94 = tpu.memref_slice %arg5[%add3A_59, %dma_wait3A_93] : memref<8192x768xf32, #tpu.memory_space<hbm>> -> memref<4x768xf32, #tpu.memory_space<hbm>>
    %dma_wait3A_95 = arith.constant 0 : i32
    %dma_wait3A_96 = tpu.memref_slice %arg5[%add3A_59, %dma_wait3A_95] : memref<8192x768xf32, #tpu.memory_space<hbm>> -> memref<4x768xf32, #tpu.memory_space<hbm>>
    %dma_wait3A_97 = arith.constant 12 : i32
    %dma_wait3A_98 = arith.constant 0 : i32
    %dma_wait3A_99 = tpu.memref_slice %arg8[%dma_wait3A_97, %dma_wait3A_98] : memref<16x768xf32, #tpu.memory_space<vmem>> -> memref<4x768xf32, #tpu.memory_space<vmem>>
    tpu.wait_dma2 semaphore(%arg16 : memref<!tpu.dma_semaphore, #tpu.memory_space<semaphore_mem>>) src(%dma_wait3A_99 : memref<4x768xf32, #tpu.memory_space<vmem>>) dst(%dma_wait3A_96 : memref<4x768xf32, #tpu.memory_space<hbm>>)
    %add3A_100 = arith.constant 0 : i32
    %add3A_101 = arith.addi %add3A_100, %mul3A_2 : i32
    %add3A_102 = arith.constant 52 : i32
    %add3A_103 = arith.addi %add3A_101, %add3A_102 : i32
    %add3A_104 = arith.constant 2048 : i32
    %add3A_105 = arith.addi %add3A_104, %mul3A_2 : i32
    %add3A_106 = arith.constant 52 : i32
    %add3A_107 = arith.addi %add3A_105, %add3A_106 : i32
    %add3A_108 = arith.constant 4096 : i32
    %add3A_109 = arith.addi %add3A_108, %mul3A_2 : i32
    %add3A_110 = arith.constant 52 : i32
    %add3A_111 = arith.addi %add3A_109, %add3A_110 : i32
    %add3A_112 = arith.constant 6144 : i32
    %add3A_113 = arith.addi %add3A_112, %mul3A_2 : i32
    %add3A_114 = arith.constant 52 : i32
    %add3A_115 = arith.addi %add3A_113, %add3A_114 : i32
    %dma_wait3A_116 = arith.constant 0 : i32
    %dma_wait3A_117 = arith.constant 0 : i32
    %dma_wait3A_118 = tpu.memref_slice %arg9[%dma_wait3A_116, %dma_wait3A_117] : memref<16x768xf32, #tpu.memory_space<vmem>> -> memref<4x768xf32, #tpu.memory_space<vmem>>
    %dma_wait3A_119 = arith.constant 0 : i32
    %dma_wait3A_120 = tpu.memref_slice %arg5[%add3A_103, %dma_wait3A_119] : memref<8192x768xf32, #tpu.memory_space<hbm>> -> memref<4x768xf32, #tpu.memory_space<hbm>>
    %dma_wait3A_121 = arith.constant 0 : i32
    %dma_wait3A_122 = tpu.memref_slice %arg5[%add3A_103, %dma_wait3A_121] : memref<8192x768xf32, #tpu.memory_space<hbm>> -> memref<4x768xf32, #tpu.memory_space<hbm>>
    %dma_wait3A_123 = arith.constant 0 : i32
    %dma_wait3A_124 = arith.constant 0 : i32
    %dma_wait3A_125 = tpu.memref_slice %arg9[%dma_wait3A_123, %dma_wait3A_124] : memref<16x768xf32, #tpu.memory_space<vmem>> -> memref<4x768xf32, #tpu.memory_space<vmem>>
    tpu.wait_dma2 semaphore(%arg17 : memref<!tpu.dma_semaphore, #tpu.memory_space<semaphore_mem>>) src(%dma_wait3A_125 : memref<4x768xf32, #tpu.memory_space<vmem>>) dst(%dma_wait3A_122 : memref<4x768xf32, #tpu.memory_space<hbm>>)
    %dma_wait3A_126 = arith.constant 4 : i32
    %dma_wait3A_127 = arith.constant 0 : i32
    %dma_wait3A_128 = tpu.memref_slice %arg9[%dma_wait3A_126, %dma_wait3A_127] : memref<16x768xf32, #tpu.memory_space<vmem>> -> memref<4x768xf32, #tpu.memory_space<vmem>>
    %dma_wait3A_129 = arith.constant 0 : i32
    %dma_wait3A_130 = tpu.memref_slice %arg5[%add3A_107, %dma_wait3A_129] : memref<8192x768xf32, #tpu.memory_space<hbm>> -> memref<4x768xf32, #tpu.memory_space<hbm>>
    %dma_wait3A_131 = arith.constant 0 : i32
    %dma_wait3A_132 = tpu.memref_slice %arg5[%add3A_107, %dma_wait3A_131] : memref<8192x768xf32, #tpu.memory_space<hbm>> -> memref<4x768xf32, #tpu.memory_space<hbm>>
    %dma_wait3A_133 = arith.constant 4 : i32
    %dma_wait3A_134 = arith.constant 0 : i32
    %dma_wait3A_135 = tpu.memref_slice %arg9[%dma_wait3A_133, %dma_wait3A_134] : memref<16x768xf32, #tpu.memory_space<vmem>> -> memref<4x768xf32, #tpu.memory_space<vmem>>
    tpu.wait_dma2 semaphore(%arg17 : memref<!tpu.dma_semaphore, #tpu.memory_space<semaphore_mem>>) src(%dma_wait3A_135 : memref<4x768xf32, #tpu.memory_space<vmem>>) dst(%dma_wait3A_132 : memref<4x768xf32, #tpu.memory_space<hbm>>)
    %dma_wait3A_136 = arith.constant 8 : i32
    %dma_wait3A_137 = arith.constant 0 : i32
    %dma_wait3A_138 = tpu.memref_slice %arg9[%dma_wait3A_136, %dma_wait3A_137] : memref<16x768xf32, #tpu.memory_space<vmem>> -> memref<4x768xf32, #tpu.memory_space<vmem>>
    %dma_wait3A_139 = arith.constant 0 : i32
    %dma_wait3A_140 = tpu.memref_slice %arg5[%add3A_111, %dma_wait3A_139] : memref<8192x768xf32, #tpu.memory_space<hbm>> -> memref<4x768xf32, #tpu.memory_space<hbm>>
    %dma_wait3A_141 = arith.constant 0 : i32
    %dma_wait3A_142 = tpu.memref_slice %arg5[%add3A_111, %dma_wait3A_141] : memref<8192x768xf32, #tpu.memory_space<hbm>> -> memref<4x768xf32, #tpu.memory_space<hbm>>
    %dma_wait3A_143 = arith.constant 8 : i32
    %dma_wait3A_144 = arith.constant 0 : i32
    %dma_wait3A_145 = tpu.memref_slice %arg9[%dma_wait3A_143, %dma_wait3A_144] : memref<16x768xf32, #tpu.memory_space<vmem>> -> memref<4x768xf32, #tpu.memory_space<vmem>>
    tpu.wait_dma2 semaphore(%arg17 : memref<!tpu.dma_semaphore, #tpu.memory_space<semaphore_mem>>) src(%dma_wait3A_145 : memref<4x768xf32, #tpu.memory_space<vmem>>) dst(%dma_wait3A_142 : memref<4x768xf32, #tpu.memory_space<hbm>>)
    %dma_wait3A_146 = arith.constant 12 : i32
    %dma_wait3A_147 = arith.constant 0 : i32
    %dma_wait3A_148 = tpu.memref_slice %arg9[%dma_wait3A_146, %dma_wait3A_147] : memref<16x768xf32, #tpu.memory_space<vmem>> -> memref<4x768xf32, #tpu.memory_space<vmem>>
    %dma_wait3A_149 = arith.constant 0 : i32
    %dma_wait3A_150 = tpu.memref_slice %arg5[%add3A_115, %dma_wait3A_149] : memref<8192x768xf32, #tpu.memory_space<hbm>> -> memref<4x768xf32, #tpu.memory_space<hbm>>
    %dma_wait3A_151 = arith.constant 0 : i32
    %dma_wait3A_152 = tpu.memref_slice %arg5[%add3A_115, %dma_wait3A_151] : memref<8192x768xf32, #tpu.memory_space<hbm>> -> memref<4x768xf32, #tpu.memory_space<hbm>>
    %dma_wait3A_153 = arith.constant 12 : i32
    %dma_wait3A_154 = arith.constant 0 : i32
    %dma_wait3A_155 = tpu.memref_slice %arg9[%dma_wait3A_153, %dma_wait3A_154] : memref<16x768xf32, #tpu.memory_space<vmem>> -> memref<4x768xf32, #tpu.memory_space<vmem>>
    tpu.wait_dma2 semaphore(%arg17 : memref<!tpu.dma_semaphore, #tpu.memory_space<semaphore_mem>>) src(%dma_wait3A_155 : memref<4x768xf32, #tpu.memory_space<vmem>>) dst(%dma_wait3A_152 : memref<4x768xf32, #tpu.memory_space<hbm>>)
    %add3A_156 = arith.constant 0 : i32
    %add3A_157 = arith.addi %add3A_156, %mul3A_2 : i32
    %add3A_158 = arith.constant 56 : i32
    %add3A_159 = arith.addi %add3A_157, %add3A_158 : i32
    %add3A_160 = arith.constant 2048 : i32
    %add3A_161 = arith.addi %add3A_160, %mul3A_2 : i32
    %add3A_162 = arith.constant 56 : i32
    %add3A_163 = arith.addi %add3A_161, %add3A_162 : i32
    %add3A_164 = arith.constant 4096 : i32
    %add3A_165 = arith.addi %add3A_164, %mul3A_2 : i32
    %add3A_166 = arith.constant 56 : i32
    %add3A_167 = arith.addi %add3A_165, %add3A_166 : i32
    %add3A_168 = arith.constant 6144 : i32
    %add3A_169 = arith.addi %add3A_168, %mul3A_2 : i32
    %add3A_170 = arith.constant 56 : i32
    %add3A_171 = arith.addi %add3A_169, %add3A_170 : i32
    %dma_wait3A_172 = arith.constant 0 : i32
    %dma_wait3A_173 = arith.constant 0 : i32
    %dma_wait3A_174 = tpu.memref_slice %arg10[%dma_wait3A_172, %dma_wait3A_173] : memref<16x768xf32, #tpu.memory_space<vmem>> -> memref<4x768xf32, #tpu.memory_space<vmem>>
    %dma_wait3A_175 = arith.constant 0 : i32
    %dma_wait3A_176 = tpu.memref_slice %arg5[%add3A_159, %dma_wait3A_175] : memref<8192x768xf32, #tpu.memory_space<hbm>> -> memref<4x768xf32, #tpu.memory_space<hbm>>
    %dma_wait3A_177 = arith.constant 0 : i32
    %dma_wait3A_178 = tpu.memref_slice %arg5[%add3A_159, %dma_wait3A_177] : memref<8192x768xf32, #tpu.memory_space<hbm>> -> memref<4x768xf32, #tpu.memory_space<hbm>>
    %dma_wait3A_179 = arith.constant 0 : i32
    %dma_wait3A_180 = arith.constant 0 : i32
    %dma_wait3A_181 = tpu.memref_slice %arg10[%dma_wait3A_179, %dma_wait3A_180] : memref<16x768xf32, #tpu.memory_space<vmem>> -> memref<4x768xf32, #tpu.memory_space<vmem>>
    tpu.wait_dma2 semaphore(%arg18 : memref<!tpu.dma_semaphore, #tpu.memory_space<semaphore_mem>>) src(%dma_wait3A_181 : memref<4x768xf32, #tpu.memory_space<vmem>>) dst(%dma_wait3A_178 : memref<4x768xf32, #tpu.memory_space<hbm>>)
    %dma_wait3A_182 = arith.constant 4 : i32
    %dma_wait3A_183 = arith.constant 0 : i32
    %dma_wait3A_184 = tpu.memref_slice %arg10[%dma_wait3A_182, %dma_wait3A_183] : memref<16x768xf32, #tpu.memory_space<vmem>> -> memref<4x768xf32, #tpu.memory_space<vmem>>
    %dma_wait3A_185 = arith.constant 0 : i32
    %dma_wait3A_186 = tpu.memref_slice %arg5[%add3A_163, %dma_wait3A_185] : memref<8192x768xf32, #tpu.memory_space<hbm>> -> memref<4x768xf32, #tpu.memory_space<hbm>>
    %dma_wait3A_187 = arith.constant 0 : i32
    %dma_wait3A_188 = tpu.memref_slice %arg5[%add3A_163, %dma_wait3A_187] : memref<8192x768xf32, #tpu.memory_space<hbm>> -> memref<4x768xf32, #tpu.memory_space<hbm>>
    %dma_wait3A_189 = arith.constant 4 : i32
    %dma_wait3A_190 = arith.constant 0 : i32
    %dma_wait3A_191 = tpu.memref_slice %arg10[%dma_wait3A_189, %dma_wait3A_190] : memref<16x768xf32, #tpu.memory_space<vmem>> -> memref<4x768xf32, #tpu.memory_space<vmem>>
    tpu.wait_dma2 semaphore(%arg18 : memref<!tpu.dma_semaphore, #tpu.memory_space<semaphore_mem>>) src(%dma_wait3A_191 : memref<4x768xf32, #tpu.memory_space<vmem>>) dst(%dma_wait3A_188 : memref<4x768xf32, #tpu.memory_space<hbm>>)
    %dma_wait3A_192 = arith.constant 8 : i32
    %dma_wait3A_193 = arith.constant 0 : i32
    %dma_wait3A_194 = tpu.memref_slice %arg10[%dma_wait3A_192, %dma_wait3A_193] : memref<16x768xf32, #tpu.memory_space<vmem>> -> memref<4x768xf32, #tpu.memory_space<vmem>>
    %dma_wait3A_195 = arith.constant 0 : i32
    %dma_wait3A_196 = tpu.memref_slice %arg5[%add3A_167, %dma_wait3A_195] : memref<8192x768xf32, #tpu.memory_space<hbm>> -> memref<4x768xf32, #tpu.memory_space<hbm>>
    %dma_wait3A_197 = arith.constant 0 : i32
    %dma_wait3A_198 = tpu.memref_slice %arg5[%add3A_167, %dma_wait3A_197] : memref<8192x768xf32, #tpu.memory_space<hbm>> -> memref<4x768xf32, #tpu.memory_space<hbm>>
    %dma_wait3A_199 = arith.constant 8 : i32
    %dma_wait3A_200 = arith.constant 0 : i32
    %dma_wait3A_201 = tpu.memref_slice %arg10[%dma_wait3A_199, %dma_wait3A_200] : memref<16x768xf32, #tpu.memory_space<vmem>> -> memref<4x768xf32, #tpu.memory_space<vmem>>
    tpu.wait_dma2 semaphore(%arg18 : memref<!tpu.dma_semaphore, #tpu.memory_space<semaphore_mem>>) src(%dma_wait3A_201 : memref<4x768xf32, #tpu.memory_space<vmem>>) dst(%dma_wait3A_198 : memref<4x768xf32, #tpu.memory_space<hbm>>)
    %dma_wait3A_202 = arith.constant 12 : i32
    %dma_wait3A_203 = arith.constant 0 : i32
    %dma_wait3A_204 = tpu.memref_slice %arg10[%dma_wait3A_202, %dma_wait3A_203] : memref<16x768xf32, #tpu.memory_space<vmem>> -> memref<4x768xf32, #tpu.memory_space<vmem>>
    %dma_wait3A_205 = arith.constant 0 : i32
    %dma_wait3A_206 = tpu.memref_slice %arg5[%add3A_171, %dma_wait3A_205] : memref<8192x768xf32, #tpu.memory_space<hbm>> -> memref<4x768xf32, #tpu.memory_space<hbm>>
    %dma_wait3A_207 = arith.constant 0 : i32
    %dma_wait3A_208 = tpu.memref_slice %arg5[%add3A_171, %dma_wait3A_207] : memref<8192x768xf32, #tpu.memory_space<hbm>> -> memref<4x768xf32, #tpu.memory_space<hbm>>
    %dma_wait3A_209 = arith.constant 12 : i32
    %dma_wait3A_210 = arith.constant 0 : i32
    %dma_wait3A_211 = tpu.memref_slice %arg10[%dma_wait3A_209, %dma_wait3A_210] : memref<16x768xf32, #tpu.memory_space<vmem>> -> memref<4x768xf32, #tpu.memory_space<vmem>>
    tpu.wait_dma2 semaphore(%arg18 : memref<!tpu.dma_semaphore, #tpu.memory_space<semaphore_mem>>) src(%dma_wait3A_211 : memref<4x768xf32, #tpu.memory_space<vmem>>) dst(%dma_wait3A_208 : memref<4x768xf32, #tpu.memory_space<hbm>>)
    %add3A_212 = arith.constant 0 : i32
    %add3A_213 = arith.addi %add3A_212, %mul3A_2 : i32
    %add3A_214 = arith.constant 60 : i32
    %add3A_215 = arith.addi %add3A_213, %add3A_214 : i32
    %add3A_216 = arith.constant 2048 : i32
    %add3A_217 = arith.addi %add3A_216, %mul3A_2 : i32
    %add3A_218 = arith.constant 60 : i32
    %add3A_219 = arith.addi %add3A_217, %add3A_218 : i32
    %add3A_220 = arith.constant 4096 : i32
    %add3A_221 = arith.addi %add3A_220, %mul3A_2 : i32
    %add3A_222 = arith.constant 60 : i32
    %add3A_223 = arith.addi %add3A_221, %add3A_222 : i32
    %add3A_224 = arith.constant 6144 : i32
    %add3A_225 = arith.addi %add3A_224, %mul3A_2 : i32
    %add3A_226 = arith.constant 60 : i32
    %add3A_227 = arith.addi %add3A_225, %add3A_226 : i32
    %dma_wait3A_228 = arith.constant 0 : i32
    %dma_wait3A_229 = arith.constant 0 : i32
    %dma_wait3A_230 = tpu.memref_slice %arg11[%dma_wait3A_228, %dma_wait3A_229] : memref<16x768xf32, #tpu.memory_space<vmem>> -> memref<4x768xf32, #tpu.memory_space<vmem>>
    %dma_wait3A_231 = arith.constant 0 : i32
    %dma_wait3A_232 = tpu.memref_slice %arg5[%add3A_215, %dma_wait3A_231] : memref<8192x768xf32, #tpu.memory_space<hbm>> -> memref<4x768xf32, #tpu.memory_space<hbm>>
    %dma_wait3A_233 = arith.constant 0 : i32
    %dma_wait3A_234 = tpu.memref_slice %arg5[%add3A_215, %dma_wait3A_233] : memref<8192x768xf32, #tpu.memory_space<hbm>> -> memref<4x768xf32, #tpu.memory_space<hbm>>
    %dma_wait3A_235 = arith.constant 0 : i32
    %dma_wait3A_236 = arith.constant 0 : i32
    %dma_wait3A_237 = tpu.memref_slice %arg11[%dma_wait3A_235, %dma_wait3A_236] : memref<16x768xf32, #tpu.memory_space<vmem>> -> memref<4x768xf32, #tpu.memory_space<vmem>>
    tpu.wait_dma2 semaphore(%arg19 : memref<!tpu.dma_semaphore, #tpu.memory_space<semaphore_mem>>) src(%dma_wait3A_237 : memref<4x768xf32, #tpu.memory_space<vmem>>) dst(%dma_wait3A_234 : memref<4x768xf32, #tpu.memory_space<hbm>>)
    %dma_wait3A_238 = arith.constant 4 : i32
    %dma_wait3A_239 = arith.constant 0 : i32
    %dma_wait3A_240 = tpu.memref_slice %arg11[%dma_wait3A_238, %dma_wait3A_239] : memref<16x768xf32, #tpu.memory_space<vmem>> -> memref<4x768xf32, #tpu.memory_space<vmem>>
    %dma_wait3A_241 = arith.constant 0 : i32
    %dma_wait3A_242 = tpu.memref_slice %arg5[%add3A_219, %dma_wait3A_241] : memref<8192x768xf32, #tpu.memory_space<hbm>> -> memref<4x768xf32, #tpu.memory_space<hbm>>
    %dma_wait3A_243 = arith.constant 0 : i32
    %dma_wait3A_244 = tpu.memref_slice %arg5[%add3A_219, %dma_wait3A_243] : memref<8192x768xf32, #tpu.memory_space<hbm>> -> memref<4x768xf32, #tpu.memory_space<hbm>>
    %dma_wait3A_245 = arith.constant 4 : i32
    %dma_wait3A_246 = arith.constant 0 : i32
    %dma_wait3A_247 = tpu.memref_slice %arg11[%dma_wait3A_245, %dma_wait3A_246] : memref<16x768xf32, #tpu.memory_space<vmem>> -> memref<4x768xf32, #tpu.memory_space<vmem>>
    tpu.wait_dma2 semaphore(%arg19 : memref<!tpu.dma_semaphore, #tpu.memory_space<semaphore_mem>>) src(%dma_wait3A_247 : memref<4x768xf32, #tpu.memory_space<vmem>>) dst(%dma_wait3A_244 : memref<4x768xf32, #tpu.memory_space<hbm>>)
    %dma_wait3A_248 = arith.constant 8 : i32
    %dma_wait3A_249 = arith.constant 0 : i32
    %dma_wait3A_250 = tpu.memref_slice %arg11[%dma_wait3A_248, %dma_wait3A_249] : memref<16x768xf32, #tpu.memory_space<vmem>> -> memref<4x768xf32, #tpu.memory_space<vmem>>
    %dma_wait3A_251 = arith.constant 0 : i32
    %dma_wait3A_252 = tpu.memref_slice %arg5[%add3A_223, %dma_wait3A_251] : memref<8192x768xf32, #tpu.memory_space<hbm>> -> memref<4x768xf32, #tpu.memory_space<hbm>>
    %dma_wait3A_253 = arith.constant 0 : i32
    %dma_wait3A_254 = tpu.memref_slice %arg5[%add3A_223, %dma_wait3A_253] : memref<8192x768xf32, #tpu.memory_space<hbm>> -> memref<4x768xf32, #tpu.memory_space<hbm>>
    %dma_wait3A_255 = arith.constant 8 : i32
    %dma_wait3A_256 = arith.constant 0 : i32
    %dma_wait3A_257 = tpu.memref_slice %arg11[%dma_wait3A_255, %dma_wait3A_256] : memref<16x768xf32, #tpu.memory_space<vmem>> -> memref<4x768xf32, #tpu.memory_space<vmem>>
    tpu.wait_dma2 semaphore(%arg19 : memref<!tpu.dma_semaphore, #tpu.memory_space<semaphore_mem>>) src(%dma_wait3A_257 : memref<4x768xf32, #tpu.memory_space<vmem>>) dst(%dma_wait3A_254 : memref<4x768xf32, #tpu.memory_space<hbm>>)
    %dma_wait3A_258 = arith.constant 12 : i32
    %dma_wait3A_259 = arith.constant 0 : i32
    %dma_wait3A_260 = tpu.memref_slice %arg11[%dma_wait3A_258, %dma_wait3A_259] : memref<16x768xf32, #tpu.memory_space<vmem>> -> memref<4x768xf32, #tpu.memory_space<vmem>>
    %dma_wait3A_261 = arith.constant 0 : i32
    %dma_wait3A_262 = tpu.memref_slice %arg5[%add3A_227, %dma_wait3A_261] : memref<8192x768xf32, #tpu.memory_space<hbm>> -> memref<4x768xf32, #tpu.memory_space<hbm>>
    %dma_wait3A_263 = arith.constant 0 : i32
    %dma_wait3A_264 = tpu.memref_slice %arg5[%add3A_227, %dma_wait3A_263] : memref<8192x768xf32, #tpu.memory_space<hbm>> -> memref<4x768xf32, #tpu.memory_space<hbm>>
    %dma_wait3A_265 = arith.constant 12 : i32
    %dma_wait3A_266 = arith.constant 0 : i32
    %dma_wait3A_267 = tpu.memref_slice %arg11[%dma_wait3A_265, %dma_wait3A_266] : memref<16x768xf32, #tpu.memory_space<vmem>> -> memref<4x768xf32, #tpu.memory_space<vmem>>
    tpu.wait_dma2 semaphore(%arg19 : memref<!tpu.dma_semaphore, #tpu.memory_space<semaphore_mem>>) src(%dma_wait3A_267 : memref<4x768xf32, #tpu.memory_space<vmem>>) dst(%dma_wait3A_264 : memref<4x768xf32, #tpu.memory_space<hbm>>)
    return
  }
}

</mosaic_0001>

<sc_bundles>
// kernel: kernel.3.cloned.1.call-start
scs
__scs_entry_jumppad:
0x0: {  	(pc) =	sbr.rel $0x88, $3  }
0x1: {  	(tag) =	ssettag $0x0;
	lr =	simm.s32 $0x1  }
0x2: {  	[smem:$0x3F9E] =	sst lr;
	_ =	strace $0xD0000000  }
0x3: {  	_ = 	snop  }
0x4: {  	_ = 	snop  }
0x5: {  	_ = 	snop  }
0x6: {  	_ = 	snop  }
0x7: {  	_ = 	snop  }
__scs_overlays_trampoline_lowered:
0x8: {  	[smem:$0x3FAD] =	sst s0  }
0x9: {  	[smem:$0x3FAE] =	sst s1  }
0xa: {  	[smem:$0x3FAF] =	sst s2  }
0xb: {  	[smem:$0x3FB0] =	sst s3  }
0xc: {  	[smem:$0x3FB1] =	sst s4  }
0xd: {  	[smem:$0x3FB2] =	sst s5  }
0xe: {  	[smem:$0x3FB3] =	sst s6  }
0xf: {  	[smem:$0x3FB4] =	sst s7  }
0x10: {  	[smem:$0x3FB5] =	sst s8  }
0x11: {  	[smem:$0x3FB6] =	sst s9;
	s0 =	simm.s32 @!p0 $0x0  }
0x12: {  	s1 =	sld [smem:$0x3F9C];
	s0 =	simm.s32 @p0 $0x1  }
0x13: {  	[smem:$0x3FB7] =	sst s0;
	s0 =	simm.s32 @!p1 $0x0  }
0x14: {  	s2 =	sld [smem:$0x3F9B];
	s0 =	simm.s32 @p1 $0x1  }
0x15: {  	[smem:$0x3FB8] =	sst s0;
	s0 =	simm.s32 @!p2 $0x0  }
0x16: {  	s3 =	sld [smem:$0x3FDB];
	s0 =	simm.s32 @p2 $0x1  }
0x17: {  	s4 =	simm.s32 $0x1BF5;
	[smem:$0x3FBA] =	sst s0  }
0x18: {  	s0 =	sld [smem:$0x3F9D];
	_ =	swait.ge [sflag:s4], $0x0  }
0x19: {  	s7 =	sld [smem:$0x3F9E]  }
0x1a: {  	s8 =	sadd.s32 $0xFFFFE003, lr  }
0x1b: {  	s9 =	sadd.s32 $0xFFFFFEF7, lr;
	s5 =	simm.s32 $0xFFFFFFFF;
	p2 =	slt.u32 s8, $0xFFFFF086  }
0x1c: {  	p1 =	slt.u32 s9, $0xF7A;
	s5 =	simm.s32 @!p2 $0x0  }
0x1d: {  	s5 =	simm.s32 @p1 $0x1;
	p0 =	seq.s32 s7, s2  }
0x1e: {  	s7 =	smul.u32 @!p0 $0xF7A, s2;
	p2 =	seq.s32 @!p0 s5, $0x0  }
0x1f: {  	s9 =	smul.u32 $0xF7A, s1;
	s8 =	simm.s32 @!p0 $0x1BF5;
	p2 =	por !p2, p0  }
0x20: {  	[sflag:s8] =	ssyncset.s32 @!p0 $0xFFFFF086;
	s6 =	sadd.s32 @!p0 s3, s7;
	s7 =	simm.s32 @!p0 $0x108  }
0x21: {  	s3 =	sadd.s32 s3, s9;
	s6 =	sadd.s32 @!p0 $0x88, s6;
	s7 =	simm.s32 @p2 $0x1082  }
0x22: {  	[simem:s7], [sflag:s8] =	dma.local @!p0 [hbm:s6], $0xF7A  }
0x23: {  	s9 =	sor.u32 $0xD0000000, s2;
	s6 =	simm.s32 $0x108;
	_ =	swait.ge @!p0 [sflag:s8], $0x0  }
0x24: {  	s3 =	sadd.s32 $0x88, s3;
	s6 =	simm.s32 @!p1 $0x1082;
	[sflag:s4] =	ssyncset.s32 $0xFFFFF086  }
0x25: {  	[simem:s6], [sflag:s4] =	dma.local [hbm:s3], $0xF7A  }
0x26: {  	[smem:$0x3F9E] =	sst s1;
	(tag) =	ssettag s2;
	_ =	strace s9  }
0x27: {  	s1 =	sld [smem:$0x3FAE]  }
0x28: {  	s2 =	sld [smem:$0x3FAF]  }
0x29: {  	s4 =	sld [smem:$0x3FB1]  }
0x2a: {  	p0 =	seq.s32 s5, $0x0;
	s5 =	sld [smem:$0x3FB2]  }
0x2b: {  	s6 =	sld [smem:$0x3FB3]  }
0x2c: {  	s7 =	sld [smem:$0x3FB4]  }
0x2d: {  	s3 =	simm.s32 $0x108;
	s8 =	sld [smem:$0x3FB5]  }
0x2e: {  	s3 =	simm.s32 @!p0 $0x1082;
	s9 =	sld [smem:$0x3FB6]  }
0x2f: {  	lr =	sadd.s32 s0, s3;
	s0 =	sld [smem:$0x3FAD]  }
0x30: {  	s3 =	sld [smem:$0x3FB0]  }
0x31: {  	[smem:$0x3FB9] =	sst s10  }
0x32: {  	s10 =	sld [smem:$0x3FB7];
	_ =	sdelay $0x3  }
0x33: {  	p0 =	seq.s32 s10, $0x1;
	s10 =	sld [smem:$0x3FB9];
	_ =	sdelay $0x3  }
0x34: {  	[smem:$0x3FB9] =	sst s10  }
0x35: {  	s10 =	sld [smem:$0x3FB8];
	_ =	sdelay $0x3  }
0x36: {  	p1 =	seq.s32 s10, $0x1;
	s10 =	sld [smem:$0x3FB9];
	_ =	sdelay $0x3  }
0x37: {  	[smem:$0x3FB9] =	sst s10  }
0x38: {  	s10 =	sld [smem:$0x3FBA]  }
0x39: {  	_ = 	snop;
	(pc) =	sbr.ind lr, $3  }
0x3a: {  	_ = 	snop  }
0x3b: {  	_ = 	snop  }
0x3c: {  	p2 =	seq.s32 s10, $0x1;
	s10 =	sld [smem:$0x3FB9]  }
0x3d: {  	_ =	shalt  }
0x3e: {  	_ =	shalt  }
0x3f: {  	_ =	shalt  }
0x40: {  	_ =	shalt  }
0x41: {  	_ =	shalt  }
0x42: {  	_ =	shalt  }
0x43: {  	_ =	shalt  }
0x44: {  	_ =	shalt  }
0x45: {  	_ =	shalt  }
0x46: {  	_ =	shalt  }
0x47: {  	_ =	shalt  }
0x48: {  	_ =	shalt  }
0x49: {  	_ =	shalt  }
0x4a: {  	_ =	shalt  }
0x4b: {  	_ =	shalt  }
0x4c: {  	_ =	shalt  }
0x4d: {  	_ =	shalt  }
0x4e: {  	_ =	shalt  }
0x4f: {  	_ =	shalt  }
0x50: {  	_ =	shalt  }
0x51: {  	_ =	shalt  }
0x52: {  	_ =	shalt  }
0x53: {  	_ =	shalt  }
0x54: {  	_ =	shalt  }
0x55: {  	_ =	shalt  }
0x56: {  	_ =	shalt  }
0x57: {  	_ =	shalt  }
0x58: {  	_ =	shalt  }
0x59: {  	_ =	shalt  }
0x5a: {  	_ =	shalt  }
0x5b: {  	_ =	shalt  }
0x5c: {  	_ =	shalt  }
0x5d: {  	_ =	shalt  }
0x5e: {  	_ =	shalt  }
0x5f: {  	_ =	shalt  }
0x60: {  	_ =	shalt  }
0x61: {  	_ =	shalt  }
0x62: {  	_ =	shalt  }
0x63: {  	_ =	shalt  }
0x64: {  	_ =	shalt  }
0x65: {  	_ =	shalt  }
0x66: {  	_ =	shalt  }
0x67: {  	_ =	shalt  }
0x68: {  	_ =	shalt  }
0x69: {  	_ =	shalt  }
0x6a: {  	_ =	shalt  }
0x6b: {  	_ =	shalt  }
0x6c: {  	_ =	shalt  }
0x6d: {  	_ =	shalt  }
0x6e: {  	_ =	shalt  }
0x6f: {  	_ =	shalt  }
0x70: {  	_ =	shalt  }
0x71: {  	_ =	shalt  }
0x72: {  	_ =	shalt  }
0x73: {  	_ =	shalt  }
0x74: {  	_ =	shalt  }
0x75: {  	_ =	shalt  }
0x76: {  	_ =	shalt  }
0x77: {  	_ =	shalt  }
0x78: {  	_ =	shalt  }
0x79: {  	_ =	shalt  }
0x7a: {  	_ =	shalt  }
0x7b: {  	_ =	shalt  }
0x7c: {  	_ =	shalt  }
0x7d: {  	_ =	shalt  }
0x7e: {  	_ =	shalt  }
0x7f: {  	_ =	shalt  }
0x80: {  	_ =	shalt  }
0x81: {  	_ =	shalt  }
0x82: {  	_ =	shalt  }
0x83: {  	_ =	shalt  }
0x84: {  	_ =	shalt  }
0x85: {  	_ =	shalt  }
0x86: {  	_ =	shalt  }
0x87: {  	_ =	shalt  }
.Lfunc_end0:
.L_simem_size_0:
called_computation_lowered:
.L_overlay_start_0:
0x88: {  	s2 =	sld [smem:$0x3FD9]  }
0x89: {  	s3 =	sld [smem:$0x3FFE];
	_ =	sdelay $0x1  }
0x8a: {  	s1 =	srdreg.scid  }
0x8b: {  	s0 =	sand.u32 $0x1, s1  }
0x8c: {  	s17 =	sshll.u32 s0, $0xA;
	s2 =	sadd.s32 s3, s2  }
0x8d: {  	s2 =	sadd.s32 s2, s17  }
0x8e: {  	[smem:$0x3FC5] =	sst s2  }
0x8f: {  	_ = 	snop  }
0x90: {  	s2 =	sld [smem:$0x3FC8]  }
0x91: {  	s18 =	sld [smem:$0x3FC7]  }
0x92: {  	s4 =	sld [smem:$0x3FD0];
	(tm) =	ssettm $0x1  }
0x93: {  	s5 =	sld [smem:$0x3FFB];
	_ =	sdelay $0x3  }
0x94: {  	_ =	strace s5  }
0x95: {  	s5 =	sld [smem:$0x3FFC];
	_ =	sdelay $0x3  }
0x96: {  	_ =	strace s5  }
0x97: {  	s5 =	sld [smem:$0x3FFD];
	_ =	sdelay $0x3  }
0x98: {  	_ =	strace s5  }
0x99: {  	_ =	strace $0x8FFFFFFF  }
0x9a: {  	s19 =	sld [smem:$0x3FDB];
	_ =	sdelay $0x1  }
0x9b: {  	s6 =	simm.s32 $_scs_section_size  }
0x9c: {  	s7 =	simm.s32 $_size__tile_overlayer_lowered;
	s8 =	simm.s32 $_tile_overlayer_lowered  }
0x9d: {  	s22 =	simm.s32 $0x1BFF;
	s21 =	sshll.u32 s8, $0x1;
	s5 =	sadd.s32 s6, s19  }
0x9e: {  	s9 =	simm.s32 $0x0;
	s20 =	sshll.u32 s7, $0x1;
	s7 =	sadd.s32 s21, s5  }
0x9f: {  	[timem:s9], [sflag:s22] =	dma.local [hbm:s7], s20  }
0xa0: {  	_ =	swait.ge [sflag:s22], s20  }
0xa1: {  	s6 =	ssub.s32 $0x0, s20;
	[sflag:s22] =	ssyncset.done $0x0  }
0xa2: {  	[sflag:s22] =	ssyncadd.s32 s6;
	_ =	sdelay $0x1  }
0xa3: {  	s23 =	simm.s32 $0x1B8B  }
0xa4: {  	_ =	swait.ge [sflag:s23], $0x1  }
0xa5: {  	[sflag:s23] =	ssyncset.done $0x0  }
0xa6: {  	s25 =	simm.s32 $0x1B8E;
	s24 =	sld [smem:$0x3FFE];
	[sflag:s23] =	ssyncadd.s32 $0xFFFFFFFF  }
0xa7: {  	s26 =	simm.s32 $execute0_lowered;
	[smem:$0x3FD2] =	sst s25  }
0xa8: {  	s7 =	sshll.u32 s26, $0x1;
	_ =	strace $0x80000046;
	[dreg:$0x1] =	wrdreg $0xFFFFFFFF  }
0xa9: {  	s28 =	simm.s32 $_size_execute0_lowered;
	s5 =	sadd.s32 s5, s7;
	[dreg:$0x0] =	wrdreg $0x0  }
0xaa: {  	s7 =	sshll.u32 s28, $0x1;
	[dreg:$0x2] =	wrdreg s5  }
0xab: {  	[dreg:$0x3] =	wrdreg s7  }
0xac: {  	[dreg:$0x4] =	wrdreg $0xC0  }
0xad: {  	_ =	task [dreg:s9], $0x5FFFF  }
0xae: {  	[dreg:$0x1] =	wrdreg $0xFFFFFFFF  }
0xaf: {  	[dreg:$0x0] =	wrdreg $0x60  }
0xb0: {  	[dreg:$0x2] =	wrdreg s24  }
0xb1: {  	[dreg:$0x3] =	wrdreg s18  }
0xb2: {  	[dreg:$0x4] =	wrdreg s2  }
0xb3: {  	[dreg:$0x5] =	wrdreg s4  }
0xb4: {  	[dreg:$0x6] =	wrdreg $0x9  }
0xb5: {  	_ =	task.clear_ibuf [dreg:s9], $0x7FFFF;
	_ =	strace $0x90000046  }
0xb6: {  	s29 =	simm.s32 $0x9;
	_ =	strace $0x80000048  }
0xb7: {  	_ =	swait.ge [sflag:s29], $0x1  }
0xb8: {  	[sflag:s29] =	ssyncadd.s32 $0xFFFFFFFF  }
0xb9: {  	_ =	strace $0x90000048  }
0xba: {  	_ =	sfence  }
0xbb: {  	s30 =	sld [smem:$0x0];
	_ =	sdelay $0x2  }
0xbc: {  	s31 =	sshll.u32 s1, $0xD;
	s1 =	sshrl.u32 s1, $0x2  }
0xbd: {  	s3 =	sand.u32 $0x4000, s31;
	s1 =	sadd.s32 s1, s30  }
0xbe: {  	s0 =	sor.u32 s3, s0;
	s1 =	sshll.u32 s1, $0x11  }
0xbf: {  	s0 =	sor.u32 s1, s0  }
0xc0: {  	s0 =	sadd.s32 $0x8F2B, s0  }
0xc1: {  	[sflag:s0] =	ssyncadd.remote.s32 $0x1  }
0xc2: {  	_ =	sfence.sel $0xFFFF  }
0xc3: {  	[dreg:$0x0] =	wrdreg $0xFFFFFFFF;
	(pc) =	sbr.abs _section_cstart, $3  }
0xc4: {  	[dreg:$0x1] =	wrdreg $0xFFFFFFFF  }
0xc5: {  	_ =	task.clear_ibuf [dreg:s9], $0x2FFFF;
	_ =	strace $0x9FFFFFFF  }
0xc6: {  	(tm) =	ssettm $0x7FFFFFFF  }
0xc7: {  	_ =	shalt  }
tec
execute0_lowered:
.L_overlay_start_1:
0x0: {  	(tag) =	ssettag $0x1  }
0x1: {  	s0 =	rddreg [dreg:$0x0]  }
0x2: {  	s2 =	rddreg [dreg:$0x1]  }
0x3: {  	s29 =	rddreg [dreg:$0x2]  }
0x4: {  	s3 =	rddreg [dreg:$0x3];
	s4 =	simm.s32 $0x0;
	s5 =	srdreg.scid  }
0x5: {  	s1 =	stileid.u32;
	[smem:$0x7FF] =	sst s4;
	s5 =	sand.u32 $0x1, s5  }
0x6: {  	s6 =	sshll.u32 s1, $0x1;
	s30 =	sadd.s32 $0x100, s29;
	s26 =	sadd.s32 $0x40, s3  }
0x7: {  	s31 =	sadd.s32 $0x200, s29;
	_ =	strace $0x80000047;
	[dreg:$0x11] =	wrdreg s26  }
0x8: {  	s6 =	sor.u32 s5, s6;
	s5 =	ssub.s32 $0x2, s5;
	[dreg:$0xc] =	wrdreg s30  }
0x9: {  	[dreg:$0xd] =	wrdreg s31;
	s7 =	sshll.u32 s6, $0x8;
	s21 =	sshll.u32 s6, $0x6  }
0xa: {  	s9 =	smul.u32 $0x1800, s6;
	s23 =	sor.u32 $0x800, s21;
	[dreg:$0x9] =	wrdreg s21  }
0xb: {  	s0 =	sadd.s32 s7, s0;
	s24 =	sor.u32 $0x1000, s21;
	[dreg:$0xe] =	wrdreg s23  }
.Ltmp0:
0xc: {  	s25 =	sor.u32 $0x1800, s21;
	[dreg:$0xf] =	wrdreg s24;
	(pc) =	sbr.rel .LBB2_1-.Ltmp0, $4  }
0xd: {  	s8 =	sshrl.u32 s5, $0x1;
	s0 =	sadd.s32 $0x400, s0;
	[dreg:$0x10] =	wrdreg s25  }
0xe: {  	v2 =	vlaneseq.u32;
	s20 =	ssub.s32 s5, s8;
	s22 =	sadd.s32 s2, s9;
	[dreg:$0xa] =	wrdreg s0  }
0xf: {  	vm0 =	vmmov $0xffff;
	v1 =	vshrl.u32 v2, $0x3;
	s28 =	smax.u32 s20, $0x1;
	[dreg:$0xb] =	wrdreg s22  }
0x10: {  	v0 =	vand.u32 $0x7, v2;
	v2 =	vor.u32 $0x8, v2;
	v1 =	vmul.u32 $0x8, v1;
	s2 =	simm.s32 $0x0;
	[dreg:$0x12] =	wrdreg s28  }
.LBB2_20:
0x11: {  	s0 =	simm.s32 $0x5  }
0x12: {  	_ =	swait.ge [sflag:s0], $0xC00  }
0x13: {  	[sflag:s0] =	ssyncset.done $0x0  }
0x14: {  	[sflag:s0] =	ssyncadd.s32 $0xFFFFF400  }
0x15: {  	_ =	swait.ge [sflag:s0], $0xC00  }
0x16: {  	[sflag:s0] =	ssyncset.done $0x0  }
0x17: {  	[sflag:s0] =	ssyncadd.s32 $0xFFFFF400  }
0x18: {  	_ =	swait.ge [sflag:s0], $0xC00  }
0x19: {  	[sflag:s0] =	ssyncset.done $0x0  }
0x1a: {  	[sflag:s0] =	ssyncadd.s32 $0xFFFFF400  }
0x1b: {  	_ =	swait.ge [sflag:s0], $0xC00  }
0x1c: {  	[sflag:s0] =	ssyncset.done $0x0  }
0x1d: {  	s25 =	simm.s32 $0x6;
	[sflag:s0] =	ssyncadd.s32 $0xFFFFF400  }
0x1e: {  	_ =	swait.ge [sflag:s25], $0xC00  }
0x1f: {  	[sflag:s25] =	ssyncset.done $0x0  }
0x20: {  	[sflag:s25] =	ssyncadd.s32 $0xFFFFF400  }
0x21: {  	_ =	swait.ge [sflag:s25], $0xC00  }
0x22: {  	[sflag:s25] =	ssyncset.done $0x0  }
0x23: {  	[sflag:s25] =	ssyncadd.s32 $0xFFFFF400  }
0x24: {  	_ =	swait.ge [sflag:s25], $0xC00  }
0x25: {  	[sflag:s25] =	ssyncset.done $0x0  }
0x26: {  	[sflag:s25] =	ssyncadd.s32 $0xFFFFF400  }
0x27: {  	_ =	swait.ge [sflag:s25], $0xC00  }
0x28: {  	[sflag:s25] =	ssyncset.done $0x0  }
0x29: {  	s26 =	simm.s32 $0x7;
	[sflag:s25] =	ssyncadd.s32 $0xFFFFF400  }
0x2a: {  	_ =	swait.ge [sflag:s26], $0xC00  }
0x2b: {  	[sflag:s26] =	ssyncset.done $0x0  }
0x2c: {  	[sflag:s26] =	ssyncadd.s32 $0xFFFFF400  }
0x2d: {  	_ =	swait.ge [sflag:s26], $0xC00  }
0x2e: {  	[sflag:s26] =	ssyncset.done $0x0  }
0x2f: {  	[sflag:s26] =	ssyncadd.s32 $0xFFFFF400  }
0x30: {  	_ =	swait.ge [sflag:s26], $0xC00  }
0x31: {  	[sflag:s26] =	ssyncset.done $0x0  }
0x32: {  	[sflag:s26] =	ssyncadd.s32 $0xFFFFF400  }
0x33: {  	_ =	swait.ge [sflag:s26], $0xC00  }
0x34: {  	[sflag:s26] =	ssyncset.done $0x0  }
0x35: {  	s1 =	simm.s32 $0x8;
	[sflag:s26] =	ssyncadd.s32 $0xFFFFF400  }
0x36: {  	_ =	swait.ge [sflag:s1], $0xC00  }
0x37: {  	[sflag:s1] =	ssyncset.done $0x0  }
0x38: {  	[sflag:s1] =	ssyncadd.s32 $0xFFFFF400  }
0x39: {  	_ =	swait.ge [sflag:s1], $0xC00  }
0x3a: {  	[sflag:s1] =	ssyncset.done $0x0  }
0x3b: {  	[sflag:s1] =	ssyncadd.s32 $0xFFFFF400  }
0x3c: {  	_ =	swait.ge [sflag:s1], $0xC00  }
0x3d: {  	[sflag:s1] =	ssyncset.done $0x0  }
0x3e: {  	[sflag:s1] =	ssyncadd.s32 $0xFFFFF400  }
0x3f: {  	_ =	swait.ge [sflag:s1], $0xC00  }
0x40: {  	s2 =	rddreg [dreg:$0x13]  }
0x41: {  	s28 =	rddreg [dreg:$0x12];
	s2 =	sadd.s32 $0x1, s2  }
0x42: {  	p0 =	sne.s32 s2, s28  }
.Ltmp1:
0x43: {  	_ = 	snop;
	(pc) =	sbr.rel @!p0 .LBB2_21-.Ltmp1, $3  }
0x44: {  	_ =	sdelay $0x1  }
0x45: {  	[sflag:s1] =	ssyncset.done $0x0  }
0x46: {  	[sflag:s1] =	ssyncadd.s32 $0xFFFFF400  }
.LBB2_1:
0x47: {  	[dreg:$0x13] =	wrdreg s2  }
0x48: {  	s0 =	rddreg [dreg:$0xa]  }
0x49: {  	[tilespmem:s4], [sflag:$0x9] =	stream.linear.gather [hbm4b:s0+s4], $0x800, $0x38;
	[tilespmem:$0x18800] =	vst v63  }
0x4a: {  	s16 =	rddreg [dreg:$0xb];
	s1 =	simm.s32 $0x800;
	s17 =	simm.s32 $0x9  }
0x4b: {  	[tilespmem:s1], [sflag:$0xA] =	stream.linear.gather [hbm4b:s16+s4], $0xC000, $0x38;
	[tilespmem:$0x18800] =	vst v63  }
0x4c: {  	_ =	swait.ge [sflag:s17], $0x800  }
0x4d: {  	[sflag:s17] =	ssyncset.done $0x0  }
0x4e: {  	[sflag:s17] =	ssyncadd.s32 $0xFFFFF800  }
0x4f: {  	v3 =	vld [tilespmem:$0x0];
	_ =	sdelay $0x4  }
0x50: {  	v4 =	vshrl.u32 v3, $0x3  }
0x51: {  	v4 =	vmul.u32 $0x30, v4  }
0x52: {  	v3 =	vand.u32 $0x7, v3  }
0x53: {  	v3 =	vor.u32 v3, v4  }
0x54: {  	v4 =	vperm.xlane v3, v0;
	_ =	sdelay $0x1  }
0x55: {  	v4 =	vadd.s32 v1, v4;
	_ =	sdelay $0x3  }
0x56: {  	s18 =	simm.s32 $0xC800;
	v3 =	vperm.xlane v3, v2  }
0x57: {  	[tilespmem:s18], [sflag:$0x1] =	stream.indirect_vreg.gather [hbm4b:s29+s4], $0x80, v4, vm0, $0xb8;
	[tilespmem:$0x18800] =	vst v63  }
0x58: {  	s19 =	simm.s32 $0xD000;
	v3 =	vadd.s32 v1, v3  }
0x59: {  	[tilespmem:s19], [sflag:$0x1] =	stream.indirect_vreg.gather [hbm4b:s30+s4], $0x80, v4, vm0, $0xb8;
	[tilespmem:$0x18800] =	vst v63  }
0x5a: {  	s20 =	simm.s32 $0xD800  }
0x5b: {  	[tilespmem:s20], [sflag:$0x1] =	stream.indirect_vreg.gather [hbm4b:s31+s4], $0x80, v4, vm0, $0xb8;
	[tilespmem:$0x18800] =	vst v63  }
0x5c: {  	s21 =	simm.s32 $0xE000  }
0x5d: {  	[tilespmem:s21], [sflag:$0x1] =	stream.indirect_vreg.gather [hbm4b:s29+s4], $0x80, v3, vm0, $0xb8;
	[tilespmem:$0x18800] =	vst v63  }
0x5e: {  	s22 =	simm.s32 $0xE800  }
0x5f: {  	[tilespmem:s22], [sflag:$0x1] =	stream.indirect_vreg.gather [hbm4b:s30+s4], $0x80, v3, vm0, $0xb8;
	[tilespmem:$0x18800] =	vst v63  }
0x60: {  	s23 =	simm.s32 $0xF000  }
0x61: {  	[tilespmem:s23], [sflag:$0x1] =	stream.indirect_vreg.gather [hbm4b:s31+s4], $0x80, v3, vm0, $0xb8;
	[tilespmem:$0x18800] =	vst v63  }
0x62: {  	v3 =	vld [tilespmem:$0x80];
	_ =	sdelay $0x4  }
0x63: {  	v63 =	vshrl.u32 v3, $0x3  }
0x64: {  	v4 =	vmul.u32 $0x30, v63  }
0x65: {  	v3 =	vand.u32 $0x7, v3  }
0x66: {  	v3 =	vor.u32 v3, v4  }
0x67: {  	v4 =	vperm.xlane v3, v0;
	_ =	sdelay $0x1  }
0x68: {  	v4 =	vadd.s32 v1, v4;
	_ =	sdelay $0x3  }
0x69: {  	s24 =	simm.s32 $0xF800;
	v3 =	vperm.xlane v3, v2  }
0x6a: {  	[tilespmem:s24], [sflag:$0x2] =	stream.indirect_vreg.gather [hbm4b:s29+s4], $0x80, v4, vm0, $0xb8;
	[tilespmem:$0x18800] =	vst v63  }
0x6b: {  	s25 =	simm.s32 $0x10000;
	v3 =	vadd.s32 v1, v3  }
0x6c: {  	[tilespmem:s25], [sflag:$0x2] =	stream.indirect_vreg.gather [hbm4b:s30+s4], $0x80, v4, vm0, $0xb8;
	[tilespmem:$0x18800] =	vst v63  }
0x6d: {  	s26 =	simm.s32 $0x10800  }
0x6e: {  	[tilespmem:s26], [sflag:$0x2] =	stream.indirect_vreg.gather [hbm4b:s31+s4], $0x80, v4, vm0, $0xb8;
	[tilespmem:$0x18800] =	vst v63  }
0x6f: {  	s28 =	simm.s32 $0x11000  }
0x70: {  	[tilespmem:s28], [sflag:$0x2] =	stream.indirect_vreg.gather [hbm4b:s29+s4], $0x80, v3, vm0, $0xb8;
	[tilespmem:$0x18800] =	vst v63  }
0x71: {  	s29 =	simm.s32 $0x11800  }
0x72: {  	[tilespmem:s29], [sflag:$0x2] =	stream.indirect_vreg.gather [hbm4b:s30+s4], $0x80, v3, vm0, $0xb8;
	[tilespmem:$0x18800] =	vst v63  }
0x73: {  	s30 =	simm.s32 $0x12000  }
0x74: {  	[tilespmem:s30], [sflag:$0x2] =	stream.indirect_vreg.gather [hbm4b:s31+s4], $0x80, v3, vm0, $0xb8;
	[tilespmem:$0x18800] =	vst v63  }
0x75: {  	s31 =	simm.s32 $0xA  }
0x76: {  	_ =	swait.ge [sflag:s31], $0xC000  }
0x77: {  	[sflag:s31] =	ssyncset.done $0x0  }
0x78: {  	s25 =	simm.s32 $0x0;
	[sflag:s31] =	ssyncadd.s32 $0xFFFF4000  }
.LBB2_2:
0x79: {  	s1 =	simm.s32 $0x1;
	s0 =	smul.u32 $0xC000, s25  }
0x7a: {  	_ =	swait.ge [sflag:s1], $0x3000  }
0x7b: {  	s6 =	simm.s32 $0x0;
	[sflag:s1] =	ssyncset.done $0x0;
	s0 =	sshra.s32 s0, $0x2  }
0x7c: {  	s7 =	simm.s32 $0x0;
	[sflag:s1] =	ssyncadd.s32 $0xFFFFD000;
	s26 =	sor.u32 $0x800, s0  }
.LBB2_3:
0x7d: {  	s14 =	sshll.u32 s7, $0x7  }
0x7e: {  	s0 =	sadd.s32 s14, s26  }
0x7f: {  	s2 =	simm.s32 $0x0;
	[dreg:$0x5] =	wrdreg s0  }
0x80: {  	s17 =	sand.u32 $0x1C00, s6;
	s16 =	sand.u32 $0x40, s2;
	s0 =	rddreg [dreg:$0x5]  }
0x81: {  	s18 =	sor.u32 $0x30, s16;
	s0 =	sadd.s32 s17, s0  }
0x82: {  	s15 =	sadd.s32 s18, s0  }
0x83: {  	s19 =	sor.u32 $0x10, s16;
	s9 =	sadd.s32 s16, s0;
	v5 =	vld [tilespmem:s15+$0x0]  }
0x84: {  	s20 =	sadd.s32 s19, s0;
	v6 =	vld [tilespmem:s9+$0x0]  }
0x85: {  	s21 =	sadd.s32 $0xC800, s17;
	s22 =	sor.u32 $0x20, s16;
	v4 =	vld [tilespmem:s20+$0x0]  }
0x86: {  	s10 =	sadd.s32 s14, s21;
	s0 =	sadd.s32 s22, s0  }
0x87: {  	s12 =	sadd.s32 s18, s10;
	s15 =	sor.u32 $0x200, s14;
	v3 =	vld [tilespmem:s0+$0x0]  }
0x88: {  	s23 =	sadd.s32 s15, s21;
	s21 =	sadd.s32 s16, s10;
	[tilespmem:s12+$0x0] =	vst.add.f32.msk $0xffff, v5  }
0x89: {  	s31 =	sadd.s32 s19, s10;
	[tilespmem:s21+$0x0] =	vst.add.f32.msk $0xffff, v6  }
0x8a: {  	s11 =	sor.u32 $0xE000, s17;
	s13 =	sadd.s32 s18, s23;
	[tilespmem:s31+$0x0] =	vst.add.f32.msk $0xffff, v4  }
0x8b: {  	s28 =	sadd.s32 s14, s11;
	s24 =	sadd.s32 s16, s23;
	[tilespmem:s13+$0x0] =	vst.add.f32.msk $0xffff, v5  }
0x8c: {  	s17 =	sadd.s32 s18, s28;
	[tilespmem:s24+$0x0] =	vst.add.f32.msk $0xffff, v6  }
0x8d: {  	s30 =	sadd.s32 s16, s28;
	s29 =	sadd.s32 s15, s11;
	[tilespmem:s17+$0x0] =	vst.add.f32.msk $0xffff, v5  }
0x8e: {  	s18 =	sadd.s32 s18, s29;
	[tilespmem:s30+$0x0] =	vst.add.f32.msk $0xffff, v6  }
0x8f: {  	s0 =	sadd.s32 s19, s28;
	s16 =	sadd.s32 s16, s29;
	s20 =	sadd.s32 s22, s23;
	[tilespmem:s18+$0x0] =	vst.add.f32.msk $0xffff, v5  }
0x90: {  	s21 =	sadd.s32 s22, s10;
	s30 =	sadd.s32 s19, s23;
	s19 =	sadd.s32 s19, s29;
	[tilespmem:s16+$0x0] =	vst.add.f32.msk $0xffff, v6  }
0x91: {  	s17 =	sadd.s32 s22, s29;
	s18 =	sadd.s32 s22, s28;
	[tilespmem:s30+$0x0] =	vst.add.f32.msk $0xffff, v4;
	s16 =	simm.s32 $0x0  }
.LBB2_4:
0x92: {  	[tilespmem:s0+$0x0] =	vst.add.f32.msk $0xffff, v4  }
0x93: {  	s2 =	sadd.s32 $0x40, s2;
	s16 =	sadd.s32 $0x200, s16;
	[tilespmem:s21+$0x0] =	vst.add.f32.msk $0xffff, v3  }
0x94: {  	s22 =	rddreg [dreg:$0x5];
	[tilespmem:s19+$0x0] =	vst.add.f32.msk $0xffff, v4;
	s11 =	sand.u32 $0x40, s2;
	s13 =	sand.u32 $0x1C00, s16  }
0x95: {  	[tilespmem:s20+$0x0] =	vst.add.f32.msk $0xffff, v3;
	s24 =	sadd.s32 s13, s22;
	s23 =	sor.u32 $0x30, s11  }
0x96: {  	[tilespmem:s18+$0x0] =	vst.add.f32.msk $0xffff, v3;
	s29 =	sadd.s32 s23, s24  }
0x97: {  	s22 =	sor.u32 $0x10, s11;
	s30 =	sadd.s32 s11, s24;
	v5 =	vld [tilespmem:s29+$0x0]  }
0x98: {  	s28 =	sor.u32 $0x20, s11;
	s31 =	sadd.s32 s22, s24;
	v6 =	vld [tilespmem:s30+$0x0]  }
0x99: {  	s1 =	sadd.s32 $0xC800, s13;
	s21 =	sadd.s32 s28, s24;
	v4 =	vld [tilespmem:s31+$0x0]  }
0x9a: {  	s3 =	sadd.s32 s14, s1;
	v7 =	vld [tilespmem:s21+$0x0]  }
0x9b: {  	s8 =	sadd.s32 s23, s3;
	[tilespmem:s17+$0x0] =	vst.add.f32.msk $0xffff, v3  }
0x9c: {  	s9 =	sadd.s32 s11, s3;
	[tilespmem:s8+$0x0] =	vst.add.f32.msk $0xffff, v5  }
0x9d: {  	s20 =	sadd.s32 s15, s1;
	s24 =	sadd.s32 s22, s3;
	[tilespmem:s9+$0x0] =	vst.add.f32.msk $0xffff, v6  }
0x9e: {  	p0 =	slt.u32 s2, $0x2C0;
	s19 =	sor.u32 $0xE000, s13;
	s13 =	sadd.s32 s23, s20;
	[tilespmem:s24+$0x0] =	vst.add.f32.msk $0xffff, v4  }
0x9f: {  	s12 =	sadd.s32 s14, s19;
	s30 =	sadd.s32 s11, s20;
	s31 =	sadd.s32 s15, s19;
	[tilespmem:s13+$0x0] =	vst.add.f32.msk $0xffff, v5  }
0xa0: {  	s5 =	sadd.s32 s11, s12;
	s10 =	sadd.s32 s11, s31;
	s11 =	sadd.s32 s22, s20;
	[tilespmem:s30+$0x0] =	vst.add.f32.msk $0xffff, v6  }
.Ltmp2:
0xa1: {  	s21 =	sadd.s32 s23, s12;
	[tilespmem:s11+$0x0] =	vst.add.f32.msk $0xffff, v4;
	(pc) =	sbr.rel @p0 .LBB2_4-.Ltmp2, $4  }
0xa2: {  	[tilespmem:s21+$0x0] =	vst.add.f32.msk $0xffff, v5  }
0xa3: {  	s23 =	sadd.s32 s23, s31;
	[tilespmem:s5+$0x0] =	vst.add.f32.msk $0xffff, v6  }
0xa4: {  	s0 =	sadd.s32 s22, s12;
	s18 =	sadd.s32 s28, s12;
	s19 =	sadd.s32 s22, s31;
	[tilespmem:s23+$0x0] =	vst.add.f32.msk $0xffff, v5  }
0xa5: {  	s20 =	sadd.s32 s28, s20;
	s17 =	sadd.s32 s28, s31;
	v3 =	vmov v7;
	s21 =	sadd.s32 s28, s3;
	[tilespmem:s10+$0x0] =	vst.add.f32.msk $0xffff, v6  }
0xa6: {  	s7 =	sadd.s32 $0x1, s7  }
0xa7: {  	[tilespmem:s0+$0x0] =	vst.add.f32.msk $0xffff, v4;
	p0 =	sne.s32 s7, $0x4  }
.Ltmp3:
0xa8: {  	[tilespmem:s21+$0x0] =	vst.add.f32.msk $0xffff, v3;
	(pc) =	sbr.rel @p0 .LBB2_3-.Ltmp3, $4  }
0xa9: {  	[tilespmem:s19+$0x0] =	vst.add.f32.msk $0xffff, v4  }
0xaa: {  	[tilespmem:s20+$0x0] =	vst.add.f32.msk $0xffff, v3  }
0xab: {  	[tilespmem:s18+$0x0] =	vst.add.f32.msk $0xffff, v3  }
0xac: {  	[tilespmem:s17+$0x0] =	vst.add.f32.msk $0xffff, v3  }
0xad: {  	s0 =	sshll.u32 s25, $0x4;
	s1 =	rddreg [dreg:$0x9]  }
0xae: {  	s2 =	sor.u32 s1, s0  }
0xaf: {  	s2 =	sshrl.u32 s2, $0x3  }
0xb0: {  	s29 =	smul.u32 $0x300, s2  }
0xb1: {  	s1 =	rddreg [dreg:$0x3]  }
0xb2: {  	s3 =	simm.s32 $0xC800;
	s2 =	sadd.s32 s1, s29  }
0xb3: {  	[hbm4b:s2+s4] =	stream.linear.scatter [tilespmem:s3], [sflag:$0x5], $0x200, $0x38;
	[tilespmem:$0x18800] =	vst v63  }
0xb4: {  	s31 =	simm.s32 $0xCC00;
	s5 =	sadd.s32 $0x80, s2  }
0xb5: {  	[hbm4b:s5+s4] =	stream.linear.scatter [tilespmem:s31], [sflag:$0x5], $0x200, $0x38;
	[tilespmem:$0x18800] =	vst v63  }
0xb6: {  	s6 =	simm.s32 $0xD000;
	s11 =	rddreg [dreg:$0xe];
	s3 =	sadd.s32 $0x100, s2  }
0xb7: {  	[hbm4b:s3+s4] =	stream.linear.scatter [tilespmem:s6], [sflag:$0x5], $0x200, $0x38;
	[tilespmem:$0x18800] =	vst v63  }
0xb8: {  	s8 =	simm.s32 $0xD400;
	s12 =	sor.u32 s11, s0;
	s7 =	sadd.s32 $0x180, s2  }
0xb9: {  	[hbm4b:s7+s4] =	stream.linear.scatter [tilespmem:s8], [sflag:$0x5], $0x200, $0x38;
	[tilespmem:$0x18800] =	vst v63  }
0xba: {  	s10 =	simm.s32 $0xD800;
	s9 =	sadd.s32 $0x200, s2;
	s5 =	sshrl.u32 s12, $0x3  }
0xbb: {  	[hbm4b:s9+s4] =	stream.linear.scatter [tilespmem:s10], [sflag:$0x5], $0x200, $0x38;
	[tilespmem:$0x18800] =	vst v63  }
0xbc: {  	s13 =	simm.s32 $0xDC00;
	s2 =	sadd.s32 $0x280, s2;
	s15 =	smul.u32 $0x300, s5  }
0xbd: {  	[hbm4b:s2+s4] =	stream.linear.scatter [tilespmem:s13], [sflag:$0x5], $0x200, $0x38;
	[tilespmem:$0x18800] =	vst v63  }
0xbe: {  	s16 =	simm.s32 $0xCA00;
	s14 =	sadd.s32 s1, s15  }
0xbf: {  	[hbm4b:s14+s4] =	stream.linear.scatter [tilespmem:s16], [sflag:$0x5], $0x200, $0x38;
	[tilespmem:$0x18800] =	vst v63  }
0xc0: {  	s18 =	simm.s32 $0xCE00;
	s17 =	sadd.s32 $0x80, s14  }
0xc1: {  	[hbm4b:s17+s4] =	stream.linear.scatter [tilespmem:s18], [sflag:$0x5], $0x200, $0x38;
	[tilespmem:$0x18800] =	vst v63  }
0xc2: {  	s20 =	simm.s32 $0xD200;
	s31 =	rddreg [dreg:$0xf];
	s19 =	sadd.s32 $0x100, s14  }
0xc3: {  	[hbm4b:s19+s4] =	stream.linear.scatter [tilespmem:s20], [sflag:$0x5], $0x200, $0x38;
	[tilespmem:$0x18800] =	vst v63  }
0xc4: {  	s22 =	simm.s32 $0xD600;
	s3 =	sor.u32 s31, s0;
	s21 =	sadd.s32 $0x180, s14  }
0xc5: {  	[hbm4b:s21+s4] =	stream.linear.scatter [tilespmem:s22], [sflag:$0x5], $0x200, $0x38;
	[tilespmem:$0x18800] =	vst v63  }
0xc6: {  	s24 =	simm.s32 $0xDA00;
	s5 =	sshrl.u32 s3, $0x3;
	s23 =	sadd.s32 $0x200, s14  }
0xc7: {  	[hbm4b:s23+s4] =	stream.linear.scatter [tilespmem:s24], [sflag:$0x5], $0x200, $0x38;
	[tilespmem:$0x18800] =	vst v63  }
0xc8: {  	s6 =	smul.u32 $0x300, s5;
	s5 =	simm.s32 $0xDE00;
	s2 =	sadd.s32 $0x280, s14  }
0xc9: {  	[hbm4b:s2+s4] =	stream.linear.scatter [tilespmem:s5], [sflag:$0x5], $0x200, $0x38;
	[tilespmem:$0x18800] =	vst v63  }
0xca: {  	s8 =	simm.s32 $0xE000;
	s7 =	sadd.s32 s1, s6  }
0xcb: {  	[hbm4b:s7+s4] =	stream.linear.scatter [tilespmem:s8], [sflag:$0x5], $0x200, $0x38;
	[tilespmem:$0x18800] =	vst v63  }
0xcc: {  	s10 =	simm.s32 $0xE400;
	s9 =	sadd.s32 $0x80, s7  }
0xcd: {  	[hbm4b:s9+s4] =	stream.linear.scatter [tilespmem:s10], [sflag:$0x5], $0x200, $0x38;
	[tilespmem:$0x18800] =	vst v63  }
0xce: {  	s12 =	simm.s32 $0xE800;
	s11 =	sadd.s32 $0x100, s7;
	s18 =	rddreg [dreg:$0x10]  }
0xcf: {  	[hbm4b:s11+s4] =	stream.linear.scatter [tilespmem:s12], [sflag:$0x5], $0x200, $0x38;
	[tilespmem:$0x18800] =	vst v63  }
0xd0: {  	s13 =	sadd.s32 $0x180, s7;
	s14 =	simm.s32 $0xEC00;
	s0 =	sor.u32 s18, s0  }
0xd1: {  	[hbm4b:s13+s4] =	stream.linear.scatter [tilespmem:s14], [sflag:$0x5], $0x200, $0x38;
	[tilespmem:$0x18800] =	vst v63  }
0xd2: {  	s16 =	sadd.s32 $0x200, s7;
	s17 =	simm.s32 $0xF000;
	s0 =	sshrl.u32 s0, $0x3  }
0xd3: {  	[hbm4b:s16+s4] =	stream.linear.scatter [tilespmem:s17], [sflag:$0x5], $0x200, $0x38;
	[tilespmem:$0x18800] =	vst v63  }
0xd4: {  	s19 =	simm.s32 $0xF400;
	s2 =	sadd.s32 $0x280, s7;
	s7 =	smul.u32 $0x300, s0  }
0xd5: {  	[hbm4b:s2+s4] =	stream.linear.scatter [tilespmem:s19], [sflag:$0x5], $0x200, $0x38;
	[tilespmem:$0x18800] =	vst v63  }
0xd6: {  	s21 =	simm.s32 $0xE200;
	s20 =	sadd.s32 s1, s7  }
0xd7: {  	[hbm4b:s20+s4] =	stream.linear.scatter [tilespmem:s21], [sflag:$0x5], $0x200, $0x38;
	[tilespmem:$0x18800] =	vst v63  }
0xd8: {  	s23 =	simm.s32 $0xE600;
	s22 =	sadd.s32 $0x80, s20  }
0xd9: {  	[hbm4b:s22+s4] =	stream.linear.scatter [tilespmem:s23], [sflag:$0x5], $0x200, $0x38;
	[tilespmem:$0x18800] =	vst v63  }
0xda: {  	s31 =	simm.s32 $0xEA00;
	s24 =	sadd.s32 $0x100, s20  }
0xdb: {  	[hbm4b:s24+s4] =	stream.linear.scatter [tilespmem:s31], [sflag:$0x5], $0x200, $0x38;
	[tilespmem:$0x18800] =	vst v63  }
0xdc: {  	s5 =	simm.s32 $0xEE00;
	s3 =	sadd.s32 $0x180, s20  }
0xdd: {  	[hbm4b:s3+s4] =	stream.linear.scatter [tilespmem:s5], [sflag:$0x5], $0x200, $0x38;
	[tilespmem:$0x18800] =	vst v63  }
0xde: {  	s9 =	simm.s32 $0xF200;
	s8 =	sadd.s32 $0x200, s20  }
0xdf: {  	[hbm4b:s8+s4] =	stream.linear.scatter [tilespmem:s9], [sflag:$0x5], $0x200, $0x38;
	[tilespmem:$0x18800] =	vst v63  }
0xe0: {  	p0 =	seq.s32 s25, $0x0;
	s10 =	simm.s32 $0xF600;
	s0 =	sadd.s32 $0x280, s20  }
0xe1: {  	[hbm4b:s0+s4] =	stream.linear.scatter [tilespmem:s10], [sflag:$0x5], $0x200, $0x38;
	[tilespmem:$0x18800] =	vst v63  }
0xe2: {  	s0 =	simm.s32 @!p0 $0x7  }
0xe3: {  	_ =	swait.ge @!p0 [sflag:s0], $0xC00  }
0xe4: {  	[sflag:s0] =	ssyncset.done @!p0 $0x0  }
0xe5: {  	[sflag:s0] =	ssyncadd.s32 @!p0 $0xFFFFF400  }
0xe6: {  	_ =	swait.ge @!p0 [sflag:s0], $0xC00  }
0xe7: {  	[sflag:s0] =	ssyncset.done @!p0 $0x0  }
0xe8: {  	[sflag:s0] =	ssyncadd.s32 @!p0 $0xFFFFF400  }
0xe9: {  	_ =	swait.ge @!p0 [sflag:s0], $0xC00  }
0xea: {  	[sflag:s0] =	ssyncset.done @!p0 $0x0  }
0xeb: {  	s14 =	sshll.u32 s25, $0x2;
	[sflag:s0] =	ssyncadd.s32 @!p0 $0xFFFFF400  }
0xec: {  	s28 =	sor.u32 $0x2, s14;
	_ =	swait.ge @!p0 [sflag:s0], $0xC00  }
0xed: {  	s11 =	sshll.u32 s28, $0x7;
	[sflag:s0] =	ssyncset.done @!p0 $0x0  }
0xee: {  	s12 =	sand.u32 $0x3FFFFF00, s11;
	[sflag:s0] =	ssyncadd.s32 @!p0 $0xFFFFF400  }
0xef: {  	v3 =	vld [tilespmem:s12+$0x0];
	_ =	sdelay $0x4  }
0xf0: {  	v4 =	vshrl.u32 v3, $0x3  }
0xf1: {  	v4 =	vmul.u32 $0x30, v4  }
0xf2: {  	v3 =	vand.u32 $0x7, v3  }
0xf3: {  	v3 =	vor.u32 v3, v4  }
0xf4: {  	v4 =	vperm.xlane v3, v0;
	_ =	sdelay $0x1  }
0xf5: {  	v4 =	vadd.s32 v1, v4;
	_ =	sdelay $0x3  }
0xf6: {  	s16 =	simm.s32 $0x0;
	s17 =	simm.s32 $0x12800;
	s13 =	rddreg [dreg:$0x2];
	v3 =	vperm.xlane v3, v2  }
0xf7: {  	[tilespmem:s17], [sflag:$0x3] =	stream.indirect_vreg.gather [hbm4b:s13+s16], $0x80, v4, vm0, $0xb8;
	[tilespmem:$0x18800] =	vst v63  }
0xf8: {  	s19 =	simm.s32 $0x13000;
	s18 =	rddreg [dreg:$0xc];
	v3 =	vadd.s32 v1, v3  }
0xf9: {  	[tilespmem:s19], [sflag:$0x3] =	stream.indirect_vreg.gather [hbm4b:s18+s16], $0x80, v4, vm0, $0xb8;
	[tilespmem:$0x18800] =	vst v63  }
0xfa: {  	s21 =	simm.s32 $0x13800;
	s20 =	rddreg [dreg:$0xd]  }
0xfb: {  	[tilespmem:s21], [sflag:$0x3] =	stream.indirect_vreg.gather [hbm4b:s20+s16], $0x80, v4, vm0, $0xb8;
	[tilespmem:$0x18800] =	vst v63  }
0xfc: {  	s22 =	simm.s32 $0x14000  }
0xfd: {  	[tilespmem:s22], [sflag:$0x3] =	stream.indirect_vreg.gather [hbm4b:s13+s16], $0x80, v3, vm0, $0xb8;
	[tilespmem:$0x18800] =	vst v63  }
0xfe: {  	s23 =	simm.s32 $0x14800  }
0xff: {  	[tilespmem:s23], [sflag:$0x3] =	stream.indirect_vreg.gather [hbm4b:s18+s16], $0x80, v3, vm0, $0xb8;
	[tilespmem:$0x18800] =	vst v63  }
0x100: {  	s24 =	simm.s32 $0x15000;
	s31 =	simm.s32 $0x2  }
0x101: {  	[tilespmem:s24], [sflag:$0x3] =	stream.indirect_vreg.gather [hbm4b:s20+s16], $0x80, v3, vm0, $0xb8;
	[tilespmem:$0x18800] =	vst v63  }
0x102: {  	_ =	swait.ge [sflag:s31], $0x3000  }
0x103: {  	[sflag:s31] =	ssyncset.done $0x0  }
0x104: {  	s30 =	simm.s32 $0x0;
	[sflag:s31] =	ssyncadd.s32 $0xFFFFD000  }
.LBB2_7:
0x105: {  	s2 =	sshll.u32 s30, $0x7  }
0x106: {  	s20 =	sor.u32 $0x200, s2  }
0x107: {  	s0 =	sadd.s32 s20, s26  }
0x108: {  	s17 =	simm.s32 $0x0;
	[dreg:$0x6] =	wrdreg s0  }
0x109: {  	s10 =	sand.u32 $0x1C00, s16;
	s5 =	sand.u32 $0x40, s17;
	s0 =	rddreg [dreg:$0x6]  }
0x10a: {  	s11 =	sor.u32 $0x30, s5;
	s0 =	sadd.s32 s10, s0  }
0x10b: {  	s18 =	sadd.s32 s11, s0  }
0x10c: {  	s19 =	sadd.s32 s5, s0;
	v5 =	vld [tilespmem:s18+$0x0]  }
0x10d: {  	s18 =	sor.u32 $0x10, s5;
	v6 =	vld [tilespmem:s19+$0x0]  }
0x10e: {  	s8 =	sadd.s32 $0xF800, s10;
	s21 =	sor.u32 $0x20, s5;
	s22 =	sadd.s32 s18, s0  }
0x10f: {  	s0 =	sadd.s32 s21, s0;
	v4 =	vld [tilespmem:s22+$0x0];
	s22 =	sadd.s32 s2, s8  }
0x110: {  	v3 =	vld [tilespmem:s0+$0x0];
	s13 =	sadd.s32 s11, s22  }
0x111: {  	s31 =	sadd.s32 s20, s8;
	s1 =	sadd.s32 s5, s22;
	[tilespmem:s13+$0x0] =	vst.add.f32.msk $0xffff, v5  }
0x112: {  	s9 =	sadd.s32 $0x11000, s10;
	s19 =	sadd.s32 s11, s31;
	[tilespmem:s1+$0x0] =	vst.add.f32.msk $0xffff, v6  }
0x113: {  	s12 =	sadd.s32 s2, s9;
	s8 =	sadd.s32 s5, s31;
	[tilespmem:s19+$0x0] =	vst.add.f32.msk $0xffff, v5  }
0x114: {  	s23 =	sadd.s32 s11, s12;
	[tilespmem:s8+$0x0] =	vst.add.f32.msk $0xffff, v6  }
0x115: {  	s3 =	sadd.s32 s20, s9;
	s9 =	sadd.s32 s5, s12;
	[tilespmem:s23+$0x0] =	vst.add.f32.msk $0xffff, v5  }
0x116: {  	s13 =	sadd.s32 s18, s22;
	[tilespmem:s9+$0x0] =	vst.add.f32.msk $0xffff, v6  }
0x117: {  	s24 =	sadd.s32 s11, s3;
	[tilespmem:s13+$0x0] =	vst.add.f32.msk $0xffff, v4  }
0x118: {  	s11 =	sadd.s32 s5, s3;
	s0 =	sadd.s32 s21, s22;
	s22 =	sadd.s32 s21, s12;
	[tilespmem:s24+$0x0] =	vst.add.f32.msk $0xffff, v5  }
0x119: {  	s19 =	sadd.s32 s18, s12;
	s23 =	sadd.s32 s18, s3;
	s24 =	sadd.s32 s18, s31;
	[tilespmem:s11+$0x0] =	vst.add.f32.msk $0xffff, v6  }
0x11a: {  	s31 =	sadd.s32 s21, s31;
	s18 =	sadd.s32 s21, s3;
	s21 =	simm.s32 $0x0;
	[tilespmem:s24+$0x0] =	vst.add.f32.msk $0xffff, v4  }
.LBB2_8:
0x11b: {  	[tilespmem:s19+$0x0] =	vst.add.f32.msk $0xffff, v4  }
0x11c: {  	s17 =	sadd.s32 $0x40, s17;
	s21 =	sadd.s32 $0x200, s21;
	[tilespmem:s0+$0x0] =	vst.add.f32.msk $0xffff, v3  }
0x11d: {  	s3 =	rddreg [dreg:$0x6];
	[tilespmem:s23+$0x0] =	vst.add.f32.msk $0xffff, v4;
	s5 =	sand.u32 $0x40, s17;
	s10 =	sand.u32 $0x1C00, s21  }
0x11e: {  	[tilespmem:s31+$0x0] =	vst.add.f32.msk $0xffff, v3;
	s8 =	sadd.s32 s10, s3;
	s11 =	sor.u32 $0x30, s5  }
0x11f: {  	[tilespmem:s22+$0x0] =	vst.add.f32.msk $0xffff, v3;
	s9 =	sadd.s32 s11, s8  }
0x120: {  	s3 =	sor.u32 $0x10, s5;
	s12 =	sadd.s32 s5, s8;
	v5 =	vld [tilespmem:s9+$0x0]  }
0x121: {  	s1 =	sor.u32 $0x20, s5;
	s13 =	sadd.s32 s3, s8;
	v6 =	vld [tilespmem:s12+$0x0]  }
0x122: {  	s19 =	sadd.s32 $0xF800, s10;
	s0 =	sadd.s32 s1, s8;
	v4 =	vld [tilespmem:s13+$0x0]  }
0x123: {  	s22 =	sadd.s32 s2, s19;
	v7 =	vld [tilespmem:s0+$0x0]  }
0x124: {  	s8 =	sadd.s32 s11, s22;
	[tilespmem:s18+$0x0] =	vst.add.f32.msk $0xffff, v3  }
0x125: {  	s12 =	sadd.s32 s20, s19;
	s18 =	sadd.s32 s5, s22;
	[tilespmem:s8+$0x0] =	vst.add.f32.msk $0xffff, v5  }
0x126: {  	s23 =	sadd.s32 $0x11000, s10;
	s9 =	sadd.s32 s11, s12;
	[tilespmem:s18+$0x0] =	vst.add.f32.msk $0xffff, v6  }
0x127: {  	s24 =	sadd.s32 s2, s23;
	s13 =	sadd.s32 s5, s12;
	[tilespmem:s9+$0x0] =	vst.add.f32.msk $0xffff, v5  }
0x128: {  	s19 =	sadd.s32 s11, s24;
	[tilespmem:s13+$0x0] =	vst.add.f32.msk $0xffff, v6  }
0x129: {  	p1 =	slt.u32 s17, $0x2C0;
	s10 =	sadd.s32 s5, s24;
	s8 =	sadd.s32 s20, s23;
	[tilespmem:s19+$0x0] =	vst.add.f32.msk $0xffff, v5  }
.Ltmp4:
0x12a: {  	s23 =	sadd.s32 s11, s8;
	s11 =	sadd.s32 s3, s22;
	[tilespmem:s10+$0x0] =	vst.add.f32.msk $0xffff, v6;
	(pc) =	sbr.rel @p1 .LBB2_8-.Ltmp4, $4  }
0x12b: {  	[tilespmem:s11+$0x0] =	vst.add.f32.msk $0xffff, v4  }
0x12c: {  	s0 =	sadd.s32 s1, s22;
	s5 =	sadd.s32 s5, s8;
	[tilespmem:s23+$0x0] =	vst.add.f32.msk $0xffff, v5  }
0x12d: {  	s31 =	sadd.s32 s1, s12;
	s9 =	sadd.s32 s3, s12;
	s22 =	sadd.s32 s1, s24;
	[tilespmem:s5+$0x0] =	vst.add.f32.msk $0xffff, v6  }
0x12e: {  	v3 =	vmov v7;
	s18 =	sadd.s32 s1, s8;
	s19 =	sadd.s32 s3, s24;
	s23 =	sadd.s32 s3, s8;
	[tilespmem:s9+$0x0] =	vst.add.f32.msk $0xffff, v4  }
0x12f: {  	s30 =	sadd.s32 $0x1, s30  }
0x130: {  	[tilespmem:s19+$0x0] =	vst.add.f32.msk $0xffff, v4;
	p1 =	sne.s32 s30, $0x4  }
.Ltmp5:
0x131: {  	[tilespmem:s0+$0x0] =	vst.add.f32.msk $0xffff, v3;
	(pc) =	sbr.rel @p1 .LBB2_7-.Ltmp5, $4  }
0x132: {  	[tilespmem:s23+$0x0] =	vst.add.f32.msk $0xffff, v4  }
0x133: {  	[tilespmem:s31+$0x0] =	vst.add.f32.msk $0xffff, v3  }
0x134: {  	[tilespmem:s22+$0x0] =	vst.add.f32.msk $0xffff, v3  }
0x135: {  	[tilespmem:s18+$0x0] =	vst.add.f32.msk $0xffff, v3  }
0x136: {  	s2 =	rddreg [dreg:$0x11]  }
0x137: {  	s1 =	simm.s32 $0xF800;
	s0 =	sadd.s32 s29, s2  }
0x138: {  	[hbm4b:s0+s4] =	stream.linear.scatter [tilespmem:s1], [sflag:$0x6], $0x200, $0x38;
	[tilespmem:$0x18800] =	vst v63  }
0x139: {  	s3 =	simm.s32 $0xFC00;
	s12 =	sadd.s32 $0x80, s0  }
0x13a: {  	[hbm4b:s12+s4] =	stream.linear.scatter [tilespmem:s3], [sflag:$0x6], $0x200, $0x38;
	[tilespmem:$0x18800] =	vst v63  }
0x13b: {  	s16 =	simm.s32 $0x10000;
	s13 =	sadd.s32 $0x100, s0  }
0x13c: {  	[hbm4b:s13+s4] =	stream.linear.scatter [tilespmem:s16], [sflag:$0x6], $0x200, $0x38;
	[tilespmem:$0x18800] =	vst v63  }
0x13d: {  	s18 =	simm.s32 $0x10400;
	s17 =	sadd.s32 $0x180, s0  }
0x13e: {  	[hbm4b:s17+s4] =	stream.linear.scatter [tilespmem:s18], [sflag:$0x6], $0x200, $0x38;
	[tilespmem:$0x18800] =	vst v63  }
0x13f: {  	s20 =	simm.s32 $0x10800;
	s19 =	sadd.s32 $0x200, s0  }
0x140: {  	[hbm4b:s19+s4] =	stream.linear.scatter [tilespmem:s20], [sflag:$0x6], $0x200, $0x38;
	[tilespmem:$0x18800] =	vst v63  }
0x141: {  	s21 =	simm.s32 $0x10C00;
	s0 =	sadd.s32 $0x280, s0  }
0x142: {  	[hbm4b:s0+s4] =	stream.linear.scatter [tilespmem:s21], [sflag:$0x6], $0x200, $0x38;
	[tilespmem:$0x18800] =	vst v63  }
0x143: {  	s23 =	simm.s32 $0xFA00;
	s22 =	sadd.s32 s15, s2  }
0x144: {  	[hbm4b:s22+s4] =	stream.linear.scatter [tilespmem:s23], [sflag:$0x6], $0x200, $0x38;
	[tilespmem:$0x18800] =	vst v63  }
0x145: {  	s26 =	simm.s32 $0xFE00;
	s24 =	sadd.s32 $0x80, s22  }
0x146: {  	[hbm4b:s24+s4] =	stream.linear.scatter [tilespmem:s26], [sflag:$0x6], $0x200, $0x38;
	[tilespmem:$0x18800] =	vst v63  }
0x147: {  	s5 =	simm.s32 $0x10200;
	s3 =	sadd.s32 $0x100, s22  }
0x148: {  	[hbm4b:s3+s4] =	stream.linear.scatter [tilespmem:s5], [sflag:$0x6], $0x200, $0x38;
	[tilespmem:$0x18800] =	vst v63  }
0x149: {  	s9 =	simm.s32 $0x10600;
	s8 =	sadd.s32 $0x180, s22  }
0x14a: {  	[hbm4b:s8+s4] =	stream.linear.scatter [tilespmem:s9], [sflag:$0x6], $0x200, $0x38;
	[tilespmem:$0x18800] =	vst v63  }
0x14b: {  	s11 =	simm.s32 $0x10A00;
	s10 =	sadd.s32 $0x200, s22  }
0x14c: {  	[hbm4b:s10+s4] =	stream.linear.scatter [tilespmem:s11], [sflag:$0x6], $0x200, $0x38;
	[tilespmem:$0x18800] =	vst v63  }
0x14d: {  	s12 =	simm.s32 $0x10E00;
	s0 =	sadd.s32 $0x280, s22  }
0x14e: {  	[hbm4b:s0+s4] =	stream.linear.scatter [tilespmem:s12], [sflag:$0x6], $0x200, $0x38;
	[tilespmem:$0x18800] =	vst v63  }
0x14f: {  	s15 =	simm.s32 $0x11000;
	s13 =	sadd.s32 s6, s2  }
0x150: {  	[hbm4b:s13+s4] =	stream.linear.scatter [tilespmem:s15], [sflag:$0x6], $0x200, $0x38;
	[tilespmem:$0x18800] =	vst v63  }
0x151: {  	s16 =	sadd.s32 $0x80, s13;
	s17 =	simm.s32 $0x11400  }
0x152: {  	[hbm4b:s16+s4] =	stream.linear.scatter [tilespmem:s17], [sflag:$0x6], $0x200, $0x38;
	[tilespmem:$0x18800] =	vst v63  }
0x153: {  	s18 =	sadd.s32 $0x100, s13;
	s19 =	simm.s32 $0x11800  }
0x154: {  	[hbm4b:s18+s4] =	stream.linear.scatter [tilespmem:s19], [sflag:$0x6], $0x200, $0x38;
	[tilespmem:$0x18800] =	vst v63  }
0x155: {  	s20 =	sadd.s32 $0x180, s13;
	s21 =	simm.s32 $0x11C00  }
0x156: {  	[hbm4b:s20+s4] =	stream.linear.scatter [tilespmem:s21], [sflag:$0x6], $0x200, $0x38;
	[tilespmem:$0x18800] =	vst v63  }
0x157: {  	s22 =	sadd.s32 $0x200, s13;
	s23 =	simm.s32 $0x12000  }
0x158: {  	[hbm4b:s22+s4] =	stream.linear.scatter [tilespmem:s23], [sflag:$0x6], $0x200, $0x38;
	[tilespmem:$0x18800] =	vst v63  }
0x159: {  	s24 =	simm.s32 $0x12400;
	s0 =	sadd.s32 $0x280, s13  }
0x15a: {  	[hbm4b:s0+s4] =	stream.linear.scatter [tilespmem:s24], [sflag:$0x6], $0x200, $0x38;
	[tilespmem:$0x18800] =	vst v63  }
0x15b: {  	s26 =	sadd.s32 s7, s2;
	s3 =	simm.s32 $0x11200  }
0x15c: {  	[hbm4b:s26+s4] =	stream.linear.scatter [tilespmem:s3], [sflag:$0x6], $0x200, $0x38;
	[tilespmem:$0x18800] =	vst v63  }
0x15d: {  	s6 =	simm.s32 $0x11600;
	s5 =	sadd.s32 $0x80, s26  }
0x15e: {  	[hbm4b:s5+s4] =	stream.linear.scatter [tilespmem:s6], [sflag:$0x6], $0x200, $0x38;
	[tilespmem:$0x18800] =	vst v63  }
0x15f: {  	s7 =	sadd.s32 $0x100, s26;
	s8 =	simm.s32 $0x11A00  }
0x160: {  	[hbm4b:s7+s4] =	stream.linear.scatter [tilespmem:s8], [sflag:$0x6], $0x200, $0x38;
	[tilespmem:$0x18800] =	vst v63  }
0x161: {  	s9 =	sadd.s32 $0x180, s26;
	s10 =	simm.s32 $0x11E00  }
0x162: {  	[hbm4b:s9+s4] =	stream.linear.scatter [tilespmem:s10], [sflag:$0x6], $0x200, $0x38;
	[tilespmem:$0x18800] =	vst v63  }
0x163: {  	s11 =	sadd.s32 $0x200, s26;
	s12 =	simm.s32 $0x12200  }
0x164: {  	[hbm4b:s11+s4] =	stream.linear.scatter [tilespmem:s12], [sflag:$0x6], $0x200, $0x38;
	[tilespmem:$0x18800] =	vst v63  }
0x165: {  	s13 =	simm.s32 $0x12600;
	s0 =	sadd.s32 $0x280, s26  }
0x166: {  	[hbm4b:s0+s4] =	stream.linear.scatter [tilespmem:s13], [sflag:$0x6], $0x200, $0x38;
	[tilespmem:$0x18800] =	vst v63  }
0x167: {  	s0 =	simm.s32 @!p0 $0x8  }
0x168: {  	_ =	swait.ge @!p0 [sflag:s0], $0xC00  }
0x169: {  	[sflag:s0] =	ssyncset.done @!p0 $0x0  }
0x16a: {  	[sflag:s0] =	ssyncadd.s32 @!p0 $0xFFFFF400  }
0x16b: {  	_ =	swait.ge @!p0 [sflag:s0], $0xC00  }
0x16c: {  	[sflag:s0] =	ssyncset.done @!p0 $0x0  }
0x16d: {  	[sflag:s0] =	ssyncadd.s32 @!p0 $0xFFFFF400  }
0x16e: {  	_ =	swait.ge @!p0 [sflag:s0], $0xC00  }
0x16f: {  	[sflag:s0] =	ssyncset.done @!p0 $0x0  }
0x170: {  	[sflag:s0] =	ssyncadd.s32 @!p0 $0xFFFFF400  }
0x171: {  	s26 =	sor.u32 $0x3, s14;
	_ =	swait.ge @!p0 [sflag:s0], $0xC00  }
0x172: {  	s15 =	sshll.u32 s26, $0x7;
	[sflag:s0] =	ssyncset.done @!p0 $0x0  }
0x173: {  	s16 =	sand.u32 $0x3FFFFF80, s15;
	[sflag:s0] =	ssyncadd.s32 @!p0 $0xFFFFF400  }
0x174: {  	v3 =	vld [tilespmem:s16+$0x0];
	_ =	sdelay $0x4  }
0x175: {  	v4 =	vshrl.u32 v3, $0x3  }
0x176: {  	v4 =	vmul.u32 $0x30, v4  }
0x177: {  	v3 =	vand.u32 $0x7, v3  }
0x178: {  	v3 =	vor.u32 v3, v4  }
0x179: {  	v4 =	vperm.xlane v3, v0;
	_ =	sdelay $0x1  }
0x17a: {  	v4 =	vadd.s32 v1, v4;
	_ =	sdelay $0x3  }
0x17b: {  	s17 =	simm.s32 $0x15800;
	s6 =	simm.s32 $0x0;
	s29 =	rddreg [dreg:$0x2];
	v3 =	vperm.xlane v3, v2  }
0x17c: {  	[tilespmem:s17], [sflag:$0x4] =	stream.indirect_vreg.gather [hbm4b:s29+s6], $0x80, v4, vm0, $0xb8;
	[tilespmem:$0x18800] =	vst v63  }
0x17d: {  	s18 =	simm.s32 $0x16000;
	s30 =	rddreg [dreg:$0xc];
	v3 =	vadd.s32 v1, v3  }
0x17e: {  	[tilespmem:s18], [sflag:$0x4] =	stream.indirect_vreg.gather [hbm4b:s30+s6], $0x80, v4, vm0, $0xb8;
	[tilespmem:$0x18800] =	vst v63  }
0x17f: {  	s19 =	simm.s32 $0x16800;
	s31 =	rddreg [dreg:$0xd]  }
0x180: {  	[tilespmem:s19], [sflag:$0x4] =	stream.indirect_vreg.gather [hbm4b:s31+s6], $0x80, v4, vm0, $0xb8;
	[tilespmem:$0x18800] =	vst v63  }
0x181: {  	s20 =	simm.s32 $0x17000  }
0x182: {  	[tilespmem:s20], [sflag:$0x4] =	stream.indirect_vreg.gather [hbm4b:s29+s6], $0x80, v3, vm0, $0xb8;
	[tilespmem:$0x18800] =	vst v63  }
0x183: {  	s21 =	simm.s32 $0x17800;
	s23 =	sshrl.u32 s28, $0x1  }
0x184: {  	[tilespmem:s21], [sflag:$0x4] =	stream.indirect_vreg.gather [hbm4b:s30+s6], $0x80, v3, vm0, $0xb8;
	[tilespmem:$0x18800] =	vst v63  }
0x185: {  	s22 =	simm.s32 $0x18000;
	s24 =	simm.s32 $0x3;
	s0 =	smul.u32 $0x6000, s23  }
0x186: {  	[tilespmem:s22], [sflag:$0x4] =	stream.indirect_vreg.gather [hbm4b:s31+s6], $0x80, v3, vm0, $0xb8;
	[tilespmem:$0x18800] =	vst v63  }
0x187: {  	_ =	swait.ge [sflag:s24], $0x3000  }
0x188: {  	s0 =	sshra.s32 s0, $0x2;
	[sflag:s24] =	ssyncset.done $0x0  }
0x189: {  	s14 =	simm.s32 $0x0;
	s7 =	sadd.s32 $0x800, s0;
	[sflag:s24] =	ssyncadd.s32 $0xFFFFD000  }
.LBB2_11:
0x18a: {  	s2 =	sshll.u32 s14, $0x7  }
0x18b: {  	s0 =	sadd.s32 s2, s7  }
0x18c: {  	s15 =	simm.s32 $0x0;
	[dreg:$0x7] =	wrdreg s0  }
0x18d: {  	s3 =	sand.u32 $0x1C00, s6;
	s1 =	sand.u32 $0x40, s15;
	s0 =	rddreg [dreg:$0x7]  }
0x18e: {  	s5 =	sor.u32 $0x30, s1;
	s0 =	sadd.s32 s3, s0  }
0x18f: {  	s8 =	sadd.s32 s5, s0  }
0x190: {  	s9 =	sadd.s32 s1, s0;
	v5 =	vld [tilespmem:s8+$0x0]  }
0x191: {  	s8 =	sor.u32 $0x10, s1;
	v6 =	vld [tilespmem:s9+$0x0]  }
0x192: {  	s21 =	sadd.s32 $0x12800, s3;
	s10 =	sor.u32 $0x20, s1;
	s11 =	sadd.s32 s8, s0  }
0x193: {  	s0 =	sadd.s32 s10, s0;
	v4 =	vld [tilespmem:s11+$0x0];
	s11 =	sadd.s32 s2, s21  }
0x194: {  	s16 =	sor.u32 $0x200, s2;
	v3 =	vld [tilespmem:s0+$0x0];
	s23 =	sadd.s32 s5, s11  }
0x195: {  	s9 =	sadd.s32 s16, s21;
	s19 =	sadd.s32 s1, s11;
	[tilespmem:s23+$0x0] =	vst.add.f32.msk $0xffff, v5  }
0x196: {  	s22 =	sor.u32 $0x14000, s3;
	s24 =	sadd.s32 s5, s9;
	[tilespmem:s19+$0x0] =	vst.add.f32.msk $0xffff, v6  }
0x197: {  	s12 =	sadd.s32 s2, s22;
	s20 =	sadd.s32 s1, s9;
	[tilespmem:s24+$0x0] =	vst.add.f32.msk $0xffff, v5  }
0x198: {  	s17 =	sadd.s32 s5, s12;
	[tilespmem:s20+$0x0] =	vst.add.f32.msk $0xffff, v6  }
0x199: {  	s21 =	sadd.s32 s1, s12;
	[tilespmem:s17+$0x0] =	vst.add.f32.msk $0xffff, v5  }
0x19a: {  	s13 =	sadd.s32 s16, s22;
	s23 =	sadd.s32 s8, s11;
	[tilespmem:s21+$0x0] =	vst.add.f32.msk $0xffff, v6  }
0x19b: {  	s18 =	sadd.s32 s5, s13;
	[tilespmem:s23+$0x0] =	vst.add.f32.msk $0xffff, v4  }
0x19c: {  	s22 =	sadd.s32 s1, s13;
	s0 =	sadd.s32 s10, s11;
	s19 =	sadd.s32 s8, s12;
	[tilespmem:s18+$0x0] =	vst.add.f32.msk $0xffff, v5  }
0x19d: {  	s24 =	sadd.s32 s8, s9;
	s20 =	sadd.s32 s10, s12;
	s21 =	sadd.s32 s10, s9;
	[tilespmem:s22+$0x0] =	vst.add.f32.msk $0xffff, v6  }
0x19e: {  	s17 =	simm.s32 $0x0;
	s22 =	sadd.s32 s8, s13;
	s18 =	sadd.s32 s10, s13;
	[tilespmem:s24+$0x0] =	vst.add.f32.msk $0xffff, v4  }
.LBB2_12:
0x19f: {  	[tilespmem:s19+$0x0] =	vst.add.f32.msk $0xffff, v4  }
0x1a0: {  	s15 =	sadd.s32 $0x40, s15;
	s17 =	sadd.s32 $0x200, s17;
	[tilespmem:s0+$0x0] =	vst.add.f32.msk $0xffff, v3  }
0x1a1: {  	s1 =	rddreg [dreg:$0x7];
	[tilespmem:s22+$0x0] =	vst.add.f32.msk $0xffff, v4;
	s3 =	sand.u32 $0x40, s15;
	s5 =	sand.u32 $0x1C00, s17  }
0x1a2: {  	[tilespmem:s21+$0x0] =	vst.add.f32.msk $0xffff, v3;
	s22 =	sadd.s32 s5, s1;
	s8 =	sor.u32 $0x30, s3  }
0x1a3: {  	[tilespmem:s20+$0x0] =	vst.add.f32.msk $0xffff, v3;
	s11 =	sadd.s32 s8, s22  }
0x1a4: {  	s1 =	sor.u32 $0x10, s3;
	s9 =	sadd.s32 s3, s22;
	v5 =	vld [tilespmem:s11+$0x0]  }
0x1a5: {  	s10 =	sor.u32 $0x20, s3;
	s12 =	sadd.s32 s1, s22;
	v6 =	vld [tilespmem:s9+$0x0]  }
0x1a6: {  	s23 =	sadd.s32 $0x12800, s5;
	s0 =	sadd.s32 s10, s22;
	v4 =	vld [tilespmem:s12+$0x0]  }
0x1a7: {  	s24 =	sor.u32 $0x14000, s5;
	s11 =	sadd.s32 s2, s23;
	v7 =	vld [tilespmem:s0+$0x0]  }
0x1a8: {  	s13 =	sadd.s32 s2, s24;
	s9 =	sadd.s32 s16, s23;
	[tilespmem:s18+$0x0] =	vst.add.f32.msk $0xffff, v3;
	s12 =	sadd.s32 s8, s11  }
0x1a9: {  	s23 =	sadd.s32 s16, s24;
	s21 =	sadd.s32 s8, s13;
	s18 =	sadd.s32 s3, s11;
	[tilespmem:s12+$0x0] =	vst.add.f32.msk $0xffff, v5  }
0x1aa: {  	s19 =	sadd.s32 s8, s9;
	s22 =	sadd.s32 s8, s23;
	s8 =	sadd.s32 s1, s11;
	[tilespmem:s18+$0x0] =	vst.add.f32.msk $0xffff, v6  }
0x1ab: {  	[tilespmem:s8+$0x0] =	vst.add.f32.msk $0xffff, v4  }
0x1ac: {  	s20 =	sadd.s32 s3, s9;
	[tilespmem:s19+$0x0] =	vst.add.f32.msk $0xffff, v5  }
0x1ad: {  	p0 =	slt.u32 s15, $0x2C0;
	s24 =	sadd.s32 s1, s9;
	[tilespmem:s20+$0x0] =	vst.add.f32.msk $0xffff, v6  }
.Ltmp6:
0x1ae: {  	[tilespmem:s24+$0x0] =	vst.add.f32.msk $0xffff, v4;
	(pc) =	sbr.rel @p0 .LBB2_12-.Ltmp6, $4  }
0x1af: {  	s5 =	sadd.s32 s3, s13;
	[tilespmem:s21+$0x0] =	vst.add.f32.msk $0xffff, v5  }
0x1b0: {  	s3 =	sadd.s32 s3, s23;
	[tilespmem:s5+$0x0] =	vst.add.f32.msk $0xffff, v6  }
0x1b1: {  	s0 =	sadd.s32 s10, s11;
	s18 =	sadd.s32 s10, s23;
	s19 =	sadd.s32 s1, s13;
	[tilespmem:s22+$0x0] =	vst.add.f32.msk $0xffff, v5  }
0x1b2: {  	v3 =	vmov v7;
	s20 =	sadd.s32 s10, s13;
	s21 =	sadd.s32 s10, s9;
	s22 =	sadd.s32 s1, s23;
	[tilespmem:s3+$0x0] =	vst.add.f32.msk $0xffff, v6  }
0x1b3: {  	s14 =	sadd.s32 $0x1, s14  }
0x1b4: {  	[tilespmem:s19+$0x0] =	vst.add.f32.msk $0xffff, v4;
	p0 =	sne.s32 s14, $0x4  }
.Ltmp7:
0x1b5: {  	[tilespmem:s0+$0x0] =	vst.add.f32.msk $0xffff, v3;
	(pc) =	sbr.rel @p0 .LBB2_11-.Ltmp7, $4  }
0x1b6: {  	[tilespmem:s22+$0x0] =	vst.add.f32.msk $0xffff, v4  }
0x1b7: {  	[tilespmem:s21+$0x0] =	vst.add.f32.msk $0xffff, v3  }
0x1b8: {  	[tilespmem:s20+$0x0] =	vst.add.f32.msk $0xffff, v3  }
0x1b9: {  	[tilespmem:s18+$0x0] =	vst.add.f32.msk $0xffff, v3  }
0x1ba: {  	s0 =	sshll.u32 s28, $0x2;
	s1 =	rddreg [dreg:$0x9]  }
0x1bb: {  	s1 =	sor.u32 s1, s0  }
0x1bc: {  	s1 =	sshrl.u32 s1, $0x3  }
0x1bd: {  	s1 =	smul.u32 $0x300, s1  }
0x1be: {  	s3 =	rddreg [dreg:$0x3]  }
0x1bf: {  	s2 =	simm.s32 $0x12800;
	s1 =	sadd.s32 s3, s1  }
0x1c0: {  	[hbm4b:s1+s4] =	stream.linear.scatter [tilespmem:s2], [sflag:$0x7], $0x200, $0x38;
	[tilespmem:$0x18800] =	vst v63  }
0x1c1: {  	s5 =	simm.s32 $0x12C00;
	s21 =	sadd.s32 $0x80, s1  }
0x1c2: {  	[hbm4b:s21+s4] =	stream.linear.scatter [tilespmem:s5], [sflag:$0x7], $0x200, $0x38;
	[tilespmem:$0x18800] =	vst v63  }
0x1c3: {  	s23 =	simm.s32 $0x13000;
	s8 =	rddreg [dreg:$0xe];
	s22 =	sadd.s32 $0x100, s1  }
0x1c4: {  	[hbm4b:s22+s4] =	stream.linear.scatter [tilespmem:s23], [sflag:$0x7], $0x200, $0x38;
	[tilespmem:$0x18800] =	vst v63  }
0x1c5: {  	s28 =	simm.s32 $0x13400;
	s24 =	sadd.s32 $0x180, s1;
	s2 =	sor.u32 s8, s0  }
0x1c6: {  	[hbm4b:s24+s4] =	stream.linear.scatter [tilespmem:s28], [sflag:$0x7], $0x200, $0x38;
	[tilespmem:$0x18800] =	vst v63  }
0x1c7: {  	s7 =	simm.s32 $0x13800;
	s6 =	sadd.s32 $0x200, s1;
	s2 =	sshrl.u32 s2, $0x3  }
0x1c8: {  	[hbm4b:s6+s4] =	stream.linear.scatter [tilespmem:s7], [sflag:$0x7], $0x200, $0x38;
	[tilespmem:$0x18800] =	vst v63  }
0x1c9: {  	s9 =	simm.s32 $0x13C00;
	s1 =	sadd.s32 $0x280, s1;
	s2 =	smul.u32 $0x300, s2  }
0x1ca: {  	[hbm4b:s1+s4] =	stream.linear.scatter [tilespmem:s9], [sflag:$0x7], $0x200, $0x38;
	[tilespmem:$0x18800] =	vst v63  }
0x1cb: {  	s11 =	simm.s32 $0x12A00;
	s10 =	sadd.s32 s3, s2  }
0x1cc: {  	[hbm4b:s10+s4] =	stream.linear.scatter [tilespmem:s11], [sflag:$0x7], $0x200, $0x38;
	[tilespmem:$0x18800] =	vst v63  }
0x1cd: {  	s13 =	simm.s32 $0x12E00;
	s12 =	sadd.s32 $0x80, s10  }
0x1ce: {  	[hbm4b:s12+s4] =	stream.linear.scatter [tilespmem:s13], [sflag:$0x7], $0x200, $0x38;
	[tilespmem:$0x18800] =	vst v63  }
0x1cf: {  	s15 =	simm.s32 $0x13200;
	s20 =	rddreg [dreg:$0xf];
	s14 =	sadd.s32 $0x100, s10  }
0x1d0: {  	[hbm4b:s14+s4] =	stream.linear.scatter [tilespmem:s15], [sflag:$0x7], $0x200, $0x38;
	[tilespmem:$0x18800] =	vst v63  }
0x1d1: {  	s17 =	simm.s32 $0x13600;
	s2 =	sor.u32 s20, s0;
	s16 =	sadd.s32 $0x180, s10  }
0x1d2: {  	[hbm4b:s16+s4] =	stream.linear.scatter [tilespmem:s17], [sflag:$0x7], $0x200, $0x38;
	[tilespmem:$0x18800] =	vst v63  }
0x1d3: {  	s19 =	simm.s32 $0x13A00;
	s18 =	sadd.s32 $0x200, s10;
	s2 =	sshrl.u32 s2, $0x3  }
0x1d4: {  	[hbm4b:s18+s4] =	stream.linear.scatter [tilespmem:s19], [sflag:$0x7], $0x200, $0x38;
	[tilespmem:$0x18800] =	vst v63  }
0x1d5: {  	s21 =	simm.s32 $0x13E00;
	s2 =	smul.u32 $0x300, s2;
	s1 =	sadd.s32 $0x280, s10  }
0x1d6: {  	[hbm4b:s1+s4] =	stream.linear.scatter [tilespmem:s21], [sflag:$0x7], $0x200, $0x38;
	[tilespmem:$0x18800] =	vst v63  }
0x1d7: {  	s23 =	simm.s32 $0x14000;
	s22 =	sadd.s32 s3, s2  }
0x1d8: {  	[hbm4b:s22+s4] =	stream.linear.scatter [tilespmem:s23], [sflag:$0x7], $0x200, $0x38;
	[tilespmem:$0x18800] =	vst v63  }
0x1d9: {  	s28 =	simm.s32 $0x14400;
	s24 =	sadd.s32 $0x80, s22  }
0x1da: {  	[hbm4b:s24+s4] =	stream.linear.scatter [tilespmem:s28], [sflag:$0x7], $0x200, $0x38;
	[tilespmem:$0x18800] =	vst v63  }
0x1db: {  	s7 =	simm.s32 $0x14800;
	s6 =	sadd.s32 $0x100, s22;
	s12 =	rddreg [dreg:$0x10]  }
0x1dc: {  	[hbm4b:s6+s4] =	stream.linear.scatter [tilespmem:s7], [sflag:$0x7], $0x200, $0x38;
	[tilespmem:$0x18800] =	vst v63  }
0x1dd: {  	s8 =	sadd.s32 $0x180, s22;
	s9 =	simm.s32 $0x14C00;
	s0 =	sor.u32 s12, s0  }
0x1de: {  	[hbm4b:s8+s4] =	stream.linear.scatter [tilespmem:s9], [sflag:$0x7], $0x200, $0x38;
	[tilespmem:$0x18800] =	vst v63  }
0x1df: {  	s10 =	sadd.s32 $0x200, s22;
	s11 =	simm.s32 $0x15000;
	s0 =	sshrl.u32 s0, $0x3  }
0x1e0: {  	[hbm4b:s10+s4] =	stream.linear.scatter [tilespmem:s11], [sflag:$0x7], $0x200, $0x38;
	[tilespmem:$0x18800] =	vst v63  }
0x1e1: {  	s13 =	simm.s32 $0x15400;
	s0 =	smul.u32 $0x300, s0;
	s1 =	sadd.s32 $0x280, s22  }
0x1e2: {  	[hbm4b:s1+s4] =	stream.linear.scatter [tilespmem:s13], [sflag:$0x7], $0x200, $0x38;
	[tilespmem:$0x18800] =	vst v63  }
0x1e3: {  	s14 =	simm.s32 $0x14200;
	s0 =	sadd.s32 s3, s0  }
0x1e4: {  	[hbm4b:s0+s4] =	stream.linear.scatter [tilespmem:s14], [sflag:$0x7], $0x200, $0x38;
	[tilespmem:$0x18800] =	vst v63  }
0x1e5: {  	s16 =	simm.s32 $0x14600;
	s15 =	sadd.s32 $0x80, s0  }
0x1e6: {  	[hbm4b:s15+s4] =	stream.linear.scatter [tilespmem:s16], [sflag:$0x7], $0x200, $0x38;
	[tilespmem:$0x18800] =	vst v63  }
0x1e7: {  	s17 =	sadd.s32 $0x100, s0;
	s18 =	simm.s32 $0x14A00  }
0x1e8: {  	[hbm4b:s17+s4] =	stream.linear.scatter [tilespmem:s18], [sflag:$0x7], $0x200, $0x38;
	[tilespmem:$0x18800] =	vst v63  }
0x1e9: {  	s20 =	simm.s32 $0x14E00;
	s19 =	sadd.s32 $0x180, s0  }
0x1ea: {  	[hbm4b:s19+s4] =	stream.linear.scatter [tilespmem:s20], [sflag:$0x7], $0x200, $0x38;
	[tilespmem:$0x18800] =	vst v63  }
0x1eb: {  	s21 =	sadd.s32 $0x200, s0;
	s22 =	simm.s32 $0x15200  }
0x1ec: {  	[hbm4b:s21+s4] =	stream.linear.scatter [tilespmem:s22], [sflag:$0x7], $0x200, $0x38;
	[tilespmem:$0x18800] =	vst v63  }
0x1ed: {  	p0 =	seq.s32 s25, $0x3;
	s23 =	simm.s32 $0x15600;
	s0 =	sadd.s32 $0x280, s0  }
0x1ee: {  	[hbm4b:s0+s4] =	stream.linear.scatter [tilespmem:s23], [sflag:$0x7], $0x200, $0x38;
	[tilespmem:$0x18800] =	vst v63  }
0x1ef: {  	s0 =	simm.s32 @!p0 $0x5  }
0x1f0: {  	_ =	swait.ge @!p0 [sflag:s0], $0xC00  }
0x1f1: {  	[sflag:s0] =	ssyncset.done @!p0 $0x0  }
0x1f2: {  	[sflag:s0] =	ssyncadd.s32 @!p0 $0xFFFFF400  }
0x1f3: {  	_ =	swait.ge @!p0 [sflag:s0], $0xC00  }
0x1f4: {  	[sflag:s0] =	ssyncset.done @!p0 $0x0  }
0x1f5: {  	[sflag:s0] =	ssyncadd.s32 @!p0 $0xFFFFF400  }
0x1f6: {  	_ =	swait.ge @!p0 [sflag:s0], $0xC00  }
0x1f7: {  	[sflag:s0] =	ssyncset.done @!p0 $0x0  }
0x1f8: {  	[sflag:s0] =	ssyncadd.s32 @!p0 $0xFFFFF400  }
0x1f9: {  	_ =	swait.ge @!p0 [sflag:s0], $0xC00  }
0x1fa: {  	s1 =	sshll.u32 @!p0 s25, $0x9;
	[sflag:s0] =	ssyncset.done @!p0 $0x0  }
0x1fb: {  	[sflag:s0] =	ssyncadd.s32 @!p0 $0xFFFFF400;
	s0 =	sand.u32 @!p0 $0x3FFFFE00, s1  }
0x1fc: {  	v3 =	vld @!p0 [tilespmem:s0+$0x200];
	_ =	sdelay $0x4  }
0x1fd: {  	v4 =	vshrl.u32 @!p0 v3, $0x3  }
0x1fe: {  	v4 =	vmul.u32 @!p0 $0x30, v4  }
0x1ff: {  	v5 =	vlaneseq.u32 @!p0;
	v3 =	vand.u32 @!p0 $0x7, v3  }
0x200: {  	v6 =	vshrl.u32 @!p0 v5, $0x3;
	v3 =	vor.u32 @!p0 v3, v4;
	v4 =	vand.u32 @!p0 $0x7, v5  }
0x201: {  	v6 =	vmul.u32 @!p0 $0x8, v6;
	v4 =	vperm.xlane @!p0 v3, v4;
	_ =	sdelay $0x1  }
0x202: {  	v4 =	vadd.s32 @!p0 v6, v4;
	_ =	sdelay $0x2  }
0x203: {  	v5 =	vor.u32 @!p0 $0x8, v5  }
0x204: {  	vm1 =	vmmov @!p0 $0xffff;
	s1 =	simm.s32 @!p0 $0xC800;
	s0 =	simm.s32 @!p0 $0x0;
	v3 =	vperm.xlane @!p0 v3, v5  }
0x205: {  	[tilespmem:s1], [sflag:$0x1] =	stream.indirect_vreg.gather @!p0 [hbm4b:s29+s0], $0x80, v4, vm1, $0xb8;
	[tilespmem:$0x18800] =	vst v63  }
0x206: {  	v3 =	vadd.s32 @!p0 v6, v3;
	s1 =	simm.s32 @!p0 $0xD000  }
0x207: {  	[tilespmem:s1], [sflag:$0x1] =	stream.indirect_vreg.gather @!p0 [hbm4b:s30+s0], $0x80, v4, vm1, $0xb8;
	[tilespmem:$0x18800] =	vst v63  }
0x208: {  	s1 =	simm.s32 @!p0 $0xD800  }
0x209: {  	[tilespmem:s1], [sflag:$0x1] =	stream.indirect_vreg.gather @!p0 [hbm4b:s31+s0], $0x80, v4, vm1, $0xb8;
	[tilespmem:$0x18800] =	vst v63  }
0x20a: {  	s1 =	simm.s32 @!p0 $0xE000  }
0x20b: {  	[tilespmem:s1], [sflag:$0x1] =	stream.indirect_vreg.gather @!p0 [hbm4b:s29+s0], $0x80, v3, vm1, $0xb8;
	[tilespmem:$0x18800] =	vst v63  }
0x20c: {  	s1 =	simm.s32 @!p0 $0xE800  }
0x20d: {  	[tilespmem:s1], [sflag:$0x1] =	stream.indirect_vreg.gather @!p0 [hbm4b:s30+s0], $0x80, v3, vm1, $0xb8;
	[tilespmem:$0x18800] =	vst v63  }
0x20e: {  	s24 =	sshrl.u32 s26, $0x1;
	s1 =	simm.s32 @!p0 $0xF000  }
0x20f: {  	[tilespmem:s1], [sflag:$0x1] =	stream.indirect_vreg.gather @!p0 [hbm4b:s31+s0], $0x80, v3, vm1, $0xb8;
	[tilespmem:$0x18800] =	vst v63  }
0x210: {  	s28 =	simm.s32 $0x4;
	s0 =	smul.u32 $0x6000, s24  }
0x211: {  	_ =	swait.ge [sflag:s28], $0x3000  }
0x212: {  	s7 =	simm.s32 $0x0;
	[sflag:s28] =	ssyncset.done $0x0;
	s0 =	sshra.s32 s0, $0x2  }
0x213: {  	s14 =	simm.s32 $0x0;
	[sflag:s28] =	ssyncadd.s32 $0xFFFFD000;
	s6 =	sadd.s32 $0x800, s0  }
.LBB2_15:
0x214: {  	s2 =	sshll.u32 s14, $0x7  }
0x215: {  	s15 =	sor.u32 $0x200, s2  }
0x216: {  	s0 =	sadd.s32 s15, s6  }
0x217: {  	s16 =	simm.s32 $0x0;
	[dreg:$0x8] =	wrdreg s0  }
0x218: {  	s3 =	sand.u32 $0x1C00, s7;
	s1 =	sand.u32 $0x40, s16;
	s0 =	rddreg [dreg:$0x8]  }
0x219: {  	s5 =	sor.u32 $0x30, s1;
	s0 =	sadd.s32 s3, s0  }
0x21a: {  	s8 =	sadd.s32 s5, s0  }
0x21b: {  	s9 =	sadd.s32 s1, s0;
	v5 =	vld [tilespmem:s8+$0x0]  }
0x21c: {  	s8 =	sor.u32 $0x10, s1;
	v6 =	vld [tilespmem:s9+$0x0]  }
0x21d: {  	s24 =	sadd.s32 $0x15800, s3;
	s10 =	sor.u32 $0x20, s1;
	s11 =	sadd.s32 s8, s0  }
0x21e: {  	s0 =	sadd.s32 s10, s0;
	v4 =	vld [tilespmem:s11+$0x0];
	s11 =	sadd.s32 s2, s24  }
0x21f: {  	v3 =	vld [tilespmem:s0+$0x0];
	s13 =	sadd.s32 s5, s11  }
0x220: {  	s9 =	sadd.s32 s15, s24;
	s20 =	sadd.s32 s1, s11;
	[tilespmem:s13+$0x0] =	vst.add.f32.msk $0xffff, v5  }
0x221: {  	s28 =	sadd.s32 $0x17000, s3;
	s17 =	sadd.s32 s5, s9;
	[tilespmem:s20+$0x0] =	vst.add.f32.msk $0xffff, v6  }
0x222: {  	s12 =	sadd.s32 s2, s28;
	s21 =	sadd.s32 s1, s9;
	[tilespmem:s17+$0x0] =	vst.add.f32.msk $0xffff, v5  }
0x223: {  	s18 =	sadd.s32 s5, s12;
	[tilespmem:s21+$0x0] =	vst.add.f32.msk $0xffff, v6  }
0x224: {  	s22 =	sadd.s32 s1, s12;
	[tilespmem:s18+$0x0] =	vst.add.f32.msk $0xffff, v5  }
0x225: {  	s24 =	sadd.s32 s8, s11;
	s13 =	sadd.s32 s15, s28;
	[tilespmem:s22+$0x0] =	vst.add.f32.msk $0xffff, v6  }
0x226: {  	s19 =	sadd.s32 s5, s13;
	[tilespmem:s24+$0x0] =	vst.add.f32.msk $0xffff, v4  }
0x227: {  	s0 =	sadd.s32 s10, s11;
	s28 =	sadd.s32 s8, s9;
	s23 =	sadd.s32 s1, s13;
	[tilespmem:s19+$0x0] =	vst.add.f32.msk $0xffff, v5  }
0x228: {  	s20 =	sadd.s32 s10, s12;
	s21 =	sadd.s32 s10, s9;
	s17 =	simm.s32 $0x0;
	[tilespmem:s23+$0x0] =	vst.add.f32.msk $0xffff, v6  }
0x229: {  	s22 =	sadd.s32 s8, s13;
	s18 =	sadd.s32 s10, s13;
	s19 =	sadd.s32 s8, s12;
	[tilespmem:s28+$0x0] =	vst.add.f32.msk $0xffff, v4  }
.LBB2_16:
0x22a: {  	[tilespmem:s19+$0x0] =	vst.add.f32.msk $0xffff, v4  }
0x22b: {  	s16 =	sadd.s32 $0x40, s16;
	s17 =	sadd.s32 $0x200, s17;
	[tilespmem:s0+$0x0] =	vst.add.f32.msk $0xffff, v3  }
0x22c: {  	s1 =	rddreg [dreg:$0x8];
	[tilespmem:s22+$0x0] =	vst.add.f32.msk $0xffff, v4;
	s3 =	sand.u32 $0x40, s16;
	s5 =	sand.u32 $0x1C00, s17  }
0x22d: {  	[tilespmem:s21+$0x0] =	vst.add.f32.msk $0xffff, v3;
	s23 =	sadd.s32 s5, s1;
	s8 =	sor.u32 $0x30, s3  }
0x22e: {  	[tilespmem:s20+$0x0] =	vst.add.f32.msk $0xffff, v3;
	s11 =	sadd.s32 s8, s23  }
0x22f: {  	s1 =	sor.u32 $0x10, s3;
	s9 =	sadd.s32 s3, s23;
	v5 =	vld [tilespmem:s11+$0x0]  }
0x230: {  	s10 =	sor.u32 $0x20, s3;
	s12 =	sadd.s32 s1, s23;
	v6 =	vld [tilespmem:s9+$0x0]  }
0x231: {  	s24 =	sadd.s32 $0x15800, s5;
	s0 =	sadd.s32 s10, s23;
	v4 =	vld [tilespmem:s12+$0x0]  }
0x232: {  	s11 =	sadd.s32 s2, s24;
	v7 =	vld [tilespmem:s0+$0x0]  }
0x233: {  	s28 =	sadd.s32 $0x17000, s5;
	[tilespmem:s18+$0x0] =	vst.add.f32.msk $0xffff, v3;
	s12 =	sadd.s32 s8, s11  }
0x234: {  	s13 =	sadd.s32 s2, s28;
	s18 =	sadd.s32 s3, s11;
	[tilespmem:s12+$0x0] =	vst.add.f32.msk $0xffff, v5  }
0x235: {  	s23 =	sadd.s32 s15, s28;
	s9 =	sadd.s32 s15, s24;
	s28 =	sadd.s32 s1, s11;
	[tilespmem:s18+$0x0] =	vst.add.f32.msk $0xffff, v6  }
0x236: {  	s19 =	sadd.s32 s8, s9;
	[tilespmem:s28+$0x0] =	vst.add.f32.msk $0xffff, v4  }
0x237: {  	s20 =	sadd.s32 s3, s9;
	[tilespmem:s19+$0x0] =	vst.add.f32.msk $0xffff, v5  }
0x238: {  	p1 =	slt.u32 s16, $0x2C0;
	s24 =	sadd.s32 s1, s9;
	[tilespmem:s20+$0x0] =	vst.add.f32.msk $0xffff, v6  }
.Ltmp8:
0x239: {  	s21 =	sadd.s32 s8, s13;
	[tilespmem:s24+$0x0] =	vst.add.f32.msk $0xffff, v4;
	(pc) =	sbr.rel @p1 .LBB2_16-.Ltmp8, $4  }
0x23a: {  	s5 =	sadd.s32 s3, s13;
	[tilespmem:s21+$0x0] =	vst.add.f32.msk $0xffff, v5  }
0x23b: {  	s22 =	sadd.s32 s8, s23;
	s3 =	sadd.s32 s3, s23;
	[tilespmem:s5+$0x0] =	vst.add.f32.msk $0xffff, v6  }
0x23c: {  	s0 =	sadd.s32 s10, s11;
	s18 =	sadd.s32 s10, s23;
	s19 =	sadd.s32 s1, s13;
	[tilespmem:s22+$0x0] =	vst.add.f32.msk $0xffff, v5  }
0x23d: {  	v3 =	vmov v7;
	s20 =	sadd.s32 s10, s13;
	s21 =	sadd.s32 s10, s9;
	s22 =	sadd.s32 s1, s23;
	[tilespmem:s3+$0x0] =	vst.add.f32.msk $0xffff, v6  }
0x23e: {  	s14 =	sadd.s32 $0x1, s14  }
0x23f: {  	[tilespmem:s19+$0x0] =	vst.add.f32.msk $0xffff, v4;
	p1 =	sne.s32 s14, $0x4  }
.Ltmp9:
0x240: {  	[tilespmem:s0+$0x0] =	vst.add.f32.msk $0xffff, v3;
	(pc) =	sbr.rel @p1 .LBB2_15-.Ltmp9, $4  }
0x241: {  	[tilespmem:s22+$0x0] =	vst.add.f32.msk $0xffff, v4  }
0x242: {  	[tilespmem:s21+$0x0] =	vst.add.f32.msk $0xffff, v3  }
0x243: {  	[tilespmem:s20+$0x0] =	vst.add.f32.msk $0xffff, v3  }
0x244: {  	[tilespmem:s18+$0x0] =	vst.add.f32.msk $0xffff, v3  }
0x245: {  	s0 =	sshll.u32 s26, $0x2;
	s1 =	rddreg [dreg:$0x9]  }
0x246: {  	s1 =	sor.u32 s1, s0  }
0x247: {  	s1 =	sshrl.u32 s1, $0x3  }
0x248: {  	s1 =	smul.u32 $0x300, s1  }
0x249: {  	s3 =	rddreg [dreg:$0x11]  }
0x24a: {  	s2 =	simm.s32 $0x15800;
	s1 =	sadd.s32 s1, s3  }
0x24b: {  	[hbm4b:s1+s4] =	stream.linear.scatter [tilespmem:s2], [sflag:$0x8], $0x200, $0x38;
	[tilespmem:$0x18800] =	vst v63  }
0x24c: {  	s5 =	simm.s32 $0x15C00;
	s28 =	sadd.s32 $0x80, s1  }
0x24d: {  	[hbm4b:s28+s4] =	stream.linear.scatter [tilespmem:s5], [sflag:$0x8], $0x200, $0x38;
	[tilespmem:$0x18800] =	vst v63  }
0x24e: {  	s7 =	simm.s32 $0x16000;
	s12 =	rddreg [dreg:$0xe];
	s6 =	sadd.s32 $0x100, s1  }
0x24f: {  	[hbm4b:s6+s4] =	stream.linear.scatter [tilespmem:s7], [sflag:$0x8], $0x200, $0x38;
	[tilespmem:$0x18800] =	vst v63  }
0x250: {  	s9 =	simm.s32 $0x16400;
	s8 =	sadd.s32 $0x180, s1;
	s2 =	sor.u32 s12, s0  }
0x251: {  	[hbm4b:s8+s4] =	stream.linear.scatter [tilespmem:s9], [sflag:$0x8], $0x200, $0x38;
	[tilespmem:$0x18800] =	vst v63  }
0x252: {  	s11 =	simm.s32 $0x16800;
	s10 =	sadd.s32 $0x200, s1;
	s2 =	sshrl.u32 s2, $0x3  }
0x253: {  	[hbm4b:s10+s4] =	stream.linear.scatter [tilespmem:s11], [sflag:$0x8], $0x200, $0x38;
	[tilespmem:$0x18800] =	vst v63  }
0x254: {  	s13 =	simm.s32 $0x16C00;
	s1 =	sadd.s32 $0x280, s1;
	s2 =	smul.u32 $0x300, s2  }
0x255: {  	[hbm4b:s1+s4] =	stream.linear.scatter [tilespmem:s13], [sflag:$0x8], $0x200, $0x38;
	[tilespmem:$0x18800] =	vst v63  }
0x256: {  	s15 =	simm.s32 $0x15A00;
	s14 =	sadd.s32 s2, s3  }
0x257: {  	[hbm4b:s14+s4] =	stream.linear.scatter [tilespmem:s15], [sflag:$0x8], $0x200, $0x38;
	[tilespmem:$0x18800] =	vst v63  }
0x258: {  	s17 =	simm.s32 $0x15E00;
	s16 =	sadd.s32 $0x80, s14  }
0x259: {  	[hbm4b:s16+s4] =	stream.linear.scatter [tilespmem:s17], [sflag:$0x8], $0x200, $0x38;
	[tilespmem:$0x18800] =	vst v63  }
0x25a: {  	s19 =	simm.s32 $0x16200;
	s24 =	rddreg [dreg:$0xf];
	s18 =	sadd.s32 $0x100, s14  }
0x25b: {  	[hbm4b:s18+s4] =	stream.linear.scatter [tilespmem:s19], [sflag:$0x8], $0x200, $0x38;
	[tilespmem:$0x18800] =	vst v63  }
0x25c: {  	s21 =	simm.s32 $0x16600;
	s2 =	sor.u32 s24, s0;
	s20 =	sadd.s32 $0x180, s14  }
0x25d: {  	[hbm4b:s20+s4] =	stream.linear.scatter [tilespmem:s21], [sflag:$0x8], $0x200, $0x38;
	[tilespmem:$0x18800] =	vst v63  }
0x25e: {  	s23 =	simm.s32 $0x16A00;
	s22 =	sadd.s32 $0x200, s14;
	s2 =	sshrl.u32 s2, $0x3  }
0x25f: {  	[hbm4b:s22+s4] =	stream.linear.scatter [tilespmem:s23], [sflag:$0x8], $0x200, $0x38;
	[tilespmem:$0x18800] =	vst v63  }
0x260: {  	s26 =	simm.s32 $0x16E00;
	s2 =	smul.u32 $0x300, s2;
	s1 =	sadd.s32 $0x280, s14  }
0x261: {  	[hbm4b:s1+s4] =	stream.linear.scatter [tilespmem:s26], [sflag:$0x8], $0x200, $0x38;
	[tilespmem:$0x18800] =	vst v63  }
0x262: {  	s6 =	simm.s32 $0x17000;
	s28 =	sadd.s32 s2, s3  }
0x263: {  	[hbm4b:s28+s4] =	stream.linear.scatter [tilespmem:s6], [sflag:$0x8], $0x200, $0x38;
	[tilespmem:$0x18800] =	vst v63  }
0x264: {  	s8 =	simm.s32 $0x17400;
	s7 =	sadd.s32 $0x80, s28  }
0x265: {  	[hbm4b:s7+s4] =	stream.linear.scatter [tilespmem:s8], [sflag:$0x8], $0x200, $0x38;
	[tilespmem:$0x18800] =	vst v63  }
0x266: {  	s10 =	simm.s32 $0x17800;
	s9 =	sadd.s32 $0x100, s28;
	s15 =	rddreg [dreg:$0x10]  }
0x267: {  	[hbm4b:s9+s4] =	stream.linear.scatter [tilespmem:s10], [sflag:$0x8], $0x200, $0x38;
	[tilespmem:$0x18800] =	vst v63  }
0x268: {  	s12 =	simm.s32 $0x17C00;
	s11 =	sadd.s32 $0x180, s28;
	s0 =	sor.u32 s15, s0  }
0x269: {  	[hbm4b:s11+s4] =	stream.linear.scatter [tilespmem:s12], [sflag:$0x8], $0x200, $0x38;
	[tilespmem:$0x18800] =	vst v63  }
0x26a: {  	s13 =	sadd.s32 $0x200, s28;
	s14 =	simm.s32 $0x18000;
	s0 =	sshrl.u32 s0, $0x3  }
0x26b: {  	[hbm4b:s13+s4] =	stream.linear.scatter [tilespmem:s14], [sflag:$0x8], $0x200, $0x38;
	[tilespmem:$0x18800] =	vst v63  }
0x26c: {  	s16 =	simm.s32 $0x18400;
	s0 =	smul.u32 $0x300, s0;
	s1 =	sadd.s32 $0x280, s28  }
0x26d: {  	[hbm4b:s1+s4] =	stream.linear.scatter [tilespmem:s16], [sflag:$0x8], $0x200, $0x38;
	[tilespmem:$0x18800] =	vst v63  }
0x26e: {  	s17 =	simm.s32 $0x17200;
	s0 =	sadd.s32 s0, s3  }
0x26f: {  	[hbm4b:s0+s4] =	stream.linear.scatter [tilespmem:s17], [sflag:$0x8], $0x200, $0x38;
	[tilespmem:$0x18800] =	vst v63  }
0x270: {  	s19 =	simm.s32 $0x17600;
	s18 =	sadd.s32 $0x80, s0  }
0x271: {  	[hbm4b:s18+s4] =	stream.linear.scatter [tilespmem:s19], [sflag:$0x8], $0x200, $0x38;
	[tilespmem:$0x18800] =	vst v63  }
0x272: {  	s20 =	sadd.s32 $0x100, s0;
	s21 =	simm.s32 $0x17A00  }
0x273: {  	[hbm4b:s20+s4] =	stream.linear.scatter [tilespmem:s21], [sflag:$0x8], $0x200, $0x38;
	[tilespmem:$0x18800] =	vst v63  }
0x274: {  	s22 =	sadd.s32 $0x180, s0;
	s23 =	simm.s32 $0x17E00  }
0x275: {  	[hbm4b:s22+s4] =	stream.linear.scatter [tilespmem:s23], [sflag:$0x8], $0x200, $0x38;
	[tilespmem:$0x18800] =	vst v63  }
.Ltmp10:
0x276: {  	_ = 	snop;
	(pc) =	sbr.rel @p0 .LBB2_20-.Ltmp10, $4  }
0x277: {  	s24 =	sadd.s32 $0x200, s0;
	s26 =	simm.s32 $0x18200  }
0x278: {  	[hbm4b:s24+s4] =	stream.linear.scatter [tilespmem:s26], [sflag:$0x8], $0x200, $0x38;
	[tilespmem:$0x18800] =	vst v63  }
0x279: {  	s28 =	simm.s32 $0x18600;
	s0 =	sadd.s32 $0x280, s0  }
0x27a: {  	[hbm4b:s0+s4] =	stream.linear.scatter [tilespmem:s28], [sflag:$0x8], $0x200, $0x38;
	[tilespmem:$0x18800] =	vst v63  }
0x27b: {  	s1 =	simm.s32 $0x6  }
0x27c: {  	_ =	swait.ge [sflag:s1], $0xC00  }
0x27d: {  	[sflag:s1] =	ssyncset.done $0x0  }
0x27e: {  	[sflag:s1] =	ssyncadd.s32 $0xFFFFF400  }
0x27f: {  	_ =	swait.ge [sflag:s1], $0xC00  }
0x280: {  	[sflag:s1] =	ssyncset.done $0x0  }
0x281: {  	[sflag:s1] =	ssyncadd.s32 $0xFFFFF400  }
0x282: {  	_ =	swait.ge [sflag:s1], $0xC00  }
0x283: {  	[sflag:s1] =	ssyncset.done $0x0  }
0x284: {  	[sflag:s1] =	ssyncadd.s32 $0xFFFFF400  }
0x285: {  	_ =	swait.ge [sflag:s1], $0xC00  }
0x286: {  	s0 =	sshll.u32 s25, $0x9;
	[sflag:s1] =	ssyncset.done $0x0  }
0x287: {  	s0 =	sand.u32 $0x3FFFFE00, s0;
	[sflag:s1] =	ssyncadd.s32 $0xFFFFF400  }
0x288: {  	v3 =	vld [tilespmem:s0+$0x280];
	_ =	sdelay $0x4  }
0x289: {  	v4 =	vshrl.u32 v3, $0x3  }
0x28a: {  	v4 =	vmul.u32 $0x30, v4  }
0x28b: {  	v3 =	vand.u32 $0x7, v3  }
0x28c: {  	v3 =	vor.u32 v3, v4  }
0x28d: {  	v4 =	vperm.xlane v3, v0;
	_ =	sdelay $0x1  }
0x28e: {  	v4 =	vadd.s32 v1, v4;
	_ =	sdelay $0x3  }
0x28f: {  	s23 =	simm.s32 $0xF800;
	v3 =	vperm.xlane v3, v2  }
0x290: {  	[tilespmem:s23], [sflag:$0x2] =	stream.indirect_vreg.gather [hbm4b:s29+s4], $0x80, v4, vm0, $0xb8;
	[tilespmem:$0x18800] =	vst v63  }
0x291: {  	s24 =	simm.s32 $0x10000;
	v3 =	vadd.s32 v1, v3  }
0x292: {  	[tilespmem:s24], [sflag:$0x2] =	stream.indirect_vreg.gather [hbm4b:s30+s4], $0x80, v4, vm0, $0xb8;
	[tilespmem:$0x18800] =	vst v63  }
0x293: {  	s26 =	simm.s32 $0x10800  }
0x294: {  	[tilespmem:s26], [sflag:$0x2] =	stream.indirect_vreg.gather [hbm4b:s31+s4], $0x80, v4, vm0, $0xb8;
	[tilespmem:$0x18800] =	vst v63  }
0x295: {  	s28 =	simm.s32 $0x11000  }
0x296: {  	[tilespmem:s28], [sflag:$0x2] =	stream.indirect_vreg.gather [hbm4b:s29+s4], $0x80, v3, vm0, $0xb8;
	[tilespmem:$0x18800] =	vst v63  }
.Ltmp11:
0x297: {  	_ = 	snop;
	(pc) =	sbr.rel .LBB2_2-.Ltmp11, $4  }
0x298: {  	s29 =	simm.s32 $0x11800  }
0x299: {  	[tilespmem:s29], [sflag:$0x2] =	stream.indirect_vreg.gather [hbm4b:s30+s4], $0x80, v3, vm0, $0xb8;
	[tilespmem:$0x18800] =	vst v63  }
0x29a: {  	s25 =	sadd.s32 $0x1, s25;
	s30 =	simm.s32 $0x12000  }
0x29b: {  	[tilespmem:s30], [sflag:$0x2] =	stream.indirect_vreg.gather [hbm4b:s31+s4], $0x80, v3, vm0, $0xb8;
	[tilespmem:$0x18800] =	vst v63  }
.LBB2_21:
0x29c: {  	_ =	sfence.sel $0x180000  }
0x29d: {  	[bflag:$0x0] =	sbarrier.arrive $0xFFFF  }
0x29e: {  	_ =	strace $0x90000047  }
0x29f: {  	s0 =	stileid.u32;
	[bflag:$0x2] =	sbarrier.arrive $0xFFFF  }
0x2a0: {  	p0 =	sne.s32 s0, $0x0;
	s0 =	rddreg [dreg:$0x4]  }
0x2a1: {  	s0 =	sadd.s32 @!p0 $0x100000, s0  }
0x2a2: {  	[sflag:s0] =	ssyncadd.tile.s32 @!p0 $0x1;
	_ =	shalt  }
.Lfunc_end2:
_tile_overlayer_lowered:
.L_overlay_start_2:
0x2a3: {  	(tag) =	ssettag $0x2  }
0x2a4: {  	s0 =	rddreg [dreg:$0x0];
	s2 =	stileid.u32  }
0x2a5: {  	s1 =	rddreg [dreg:$0x1];
	p0 =	sne.s32 s2, $0x0  }
0x2a6: {  	s3 =	rddreg [dreg:$0x2];
	[bflag:$0x3] =	sbarrier.arrive $0xFFFF;
	s2 =	simm.s32 @!p0 $0x1C0B  }
0x2a7: {  	[timem:s3], [sflag:s2] =	dma.local @!p0 [hbm:s0], s1  }
0x2a8: {  	s0 =	simm.s32 @!p0 $0xB  }
0x2a9: {  	_ =	swait.ge @!p0 [sflag:s0], s1  }
0x2aa: {  	s1 =	ssub.s32 @!p0 $0x0, s1;
	[sflag:s0] =	ssyncset.done @!p0 $0x0  }
0x2ab: {  	[sflag:s0] =	ssyncadd.s32 @!p0 s1  }
0x2ac: {  	[bflag:$0x3] =	sbarrier.arrive $0xFFFF  }
0x2ad: {  	_ =	shalt  }

</sc_bundles>
